<compile_context>
chip_gen: v7x
topology: tpu7x:2x2x1
jax: 0.10.2.dev20260603
libtpu: 0.0.44.dev20260713+nightly
codegen_flags: <defaults>
</compile_context>

<pallas_src>
import functools

import jax
import jax.numpy as jnp
from jax import lax
from jax.experimental import pallas as pl
from jax.experimental.pallas import tpu as pltpu
from jax.experimental.pallas import tpu_sc as plsc

N = 10000
E = 320000
D_IN = 128
D_HID = 16
D_OUT = 7

NC = 2
NS = 16
CHUNK = 128
CPT = 80
NBUF = 2
EPT = CPT * CHUNK
E_PAD = NC * NS * EPT
N_PAD = N + 112
RPT = N_PAD // NS


def _stage_indices(src, dst, src_a, dst_a, tile_chunk):
    pltpu.sync_copy(src.at[pl.ds(tile_chunk, CPT), :], src_a.at[pl.ds(0, CPT), :])
    pltpu.sync_copy(dst.at[pl.ds(tile_chunk, CPT), :], dst_a.at[pl.ds(0, CPT), :])
    pltpu.sync_copy(src.at[pl.ds(tile_chunk, NBUF), :],
                    src_a.at[pl.ds(CPT, NBUF), :])


def _agg_pipeline(h, src_a, dst_a, rows, acc, gsems):
    def gather(i, b):
        pltpu.async_copy(h.at[src_a.at[i]], rows[b], gsems[b])

    def wait_gather(b):
        pltpu.make_async_copy(h.at[src_a.at[0]], rows[b], gsems[b]).wait()

    for b in range(NBUF):
        gather(b, b)

    def step(j, carry):
        i = NBUF * j
        for b in range(NBUF):
            wait_gather(b)
            pltpu.sync_copy(rows[b], acc.at[dst_a.at[i + b]], add=True)
            gather(i + NBUF + b, b)
        return carry

    lax.fori_loop(0, CPT // NBUF, step, 0)
    for b in range(NBUF):
        wait_gather(b)


def _sc_agg_body(h, src, dst, zeros, out,
                 src_a, dst_a, rows0, rows1, hs, acc, g0, g1):
    cid = lax.axis_index("c")
    sid = lax.axis_index("s")
    pltpu.sync_copy(zeros.at[pl.ds(sid * RPT, RPT), :],
                    acc.at[pl.ds(sid * RPT, RPT), :])
    _stage_indices(src, dst, src_a, dst_a, (cid * NS + sid) * CPT)

    @pl.when(sid < NS - 1)
    def _():
        pltpu.sync_copy(h.at[pl.ds(sid * RPT, RPT), :],
                        hs.at[pl.ds(sid * RPT, RPT), :])

    @pl.when(sid == NS - 1)
    def _():
        pltpu.sync_copy(h.at[pl.ds((NS - 1) * RPT, N - (NS - 1) * RPT), :],
                        hs.at[pl.ds((NS - 1) * RPT, N - (NS - 1) * RPT), :])

    plsc.subcore_barrier()
    _agg_pipeline(hs, src_a, dst_a, (rows0, rows1), acc, (g0, g1))
    plsc.subcore_barrier()
    pltpu.sync_copy(acc.at[pl.ds(sid * RPT, RPT), :],
                    out.at[cid, pl.ds(sid * RPT, RPT), :])


_SC_MESH = plsc.VectorSubcoreMesh(core_axis_name="c", subcore_axis_name="s",
                                  num_cores=NC, num_subcores=NS)

_sc_aggregate = functools.partial(
    pl.kernel,
    out_type=jax.ShapeDtypeStruct((NC, N_PAD, D_HID), jnp.float32),
    mesh=_SC_MESH,
    compiler_params=pltpu.CompilerParams(use_tc_tiling_on_sc=False),
    scratch_types=[
        pltpu.VMEM((CPT + NBUF, CHUNK), jnp.int32),
        pltpu.VMEM((CPT, CHUNK), jnp.int32),
        pltpu.VMEM((CHUNK, D_HID), jnp.float32),
        pltpu.VMEM((CHUNK, D_HID), jnp.float32),
        pltpu.VMEM_SHARED((N_PAD, D_HID), jnp.float32),
        pltpu.VMEM_SHARED((N_PAD, D_HID), jnp.float32),
    ] + [pltpu.SemaphoreType.DMA] * 2,
)(_sc_agg_body)


def _dense_in_body(x_ref, w_ref, o_ref):
    o_ref[...] = jnp.dot(x_ref[...], w_ref[...],
                         preferred_element_type=jnp.float32)


def _tc_dense_in(x, W1):
    return pl.pallas_call(
        _dense_in_body,
        out_shape=jax.ShapeDtypeStruct((N, D_HID), jnp.float32),
    )(x, W1)


def _mid_body(p_ref, b_ref, w_ref, o_ref):
    latent = jnp.maximum(p_ref[0, :N] + p_ref[1, :N] + b_ref[...], 0.0)
    o_ref[...] = jnp.dot(latent, w_ref[...], preferred_element_type=jnp.float32)


def _tc_mid(p, b1, W23):
    return pl.pallas_call(
        _mid_body,
        out_shape=jax.ShapeDtypeStruct((N, D_HID), jnp.float32),
    )(p, b1, W23)


def _out_body(q_ref, b2_ref, b3_ref, eps_ref, o_ref):
    h2 = q_ref[0, :N] + q_ref[1, :N]
    zm = h2[:, :D_OUT] + b2_ref[...]
    zl = h2[:, D_OUT:2 * D_OUT] + b3_ref[...]
    o_ref[...] = zm + eps_ref[...] * jnp.exp(zl)


def _tc_out(q, b2, b3, eps):
    return pl.pallas_call(
        _out_body,
        out_shape=jax.ShapeDtypeStruct((N, D_OUT), jnp.float32),
    )(q, b2, b3, eps)


def kernel(x, edge_index, W1, b1, W2, b2, W3, b3):
    src = edge_index[0]
    dst = edge_index[1]
    padn = E_PAD - E
    src_p = jnp.concatenate([src, jnp.zeros((padn,), jnp.int32)])
    dst_p = jnp.concatenate([dst, jnp.full((padn,), N, jnp.int32)])
    src_p = src_p.reshape(E_PAD // CHUNK, CHUNK)
    dst_p = dst_p.reshape(E_PAD // CHUNK, CHUNK)
    zeros = jnp.zeros((N_PAD, D_HID), jnp.float32)
    W23 = jnp.concatenate(
        [W2, W3, jnp.zeros((D_HID, D_HID - 2 * D_OUT), jnp.float32)], axis=1)

    m1 = _tc_dense_in(x, W1)
    p = _sc_aggregate(m1, src_p, dst_p, zeros)
    mw = _tc_mid(p, b1.reshape(1, D_HID), W23)
    q = _sc_aggregate(mw, src_p, dst_p, zeros)

    eps = jax.random.normal(jax.random.key(1), (N, D_OUT), jnp.float32)
    return _tc_out(q, b2.reshape(1, D_OUT), b3.reshape(1, D_OUT), eps)

# --- scband reference (transcript-rebuilt; emitter-appended) ---
"""Pipeline reference for scband-vgae-23356032156161 (READ-ONLY COPY).

The authoritative reference and input builder live on the scoring server;
editing this copy changes nothing except your own understanding.
"""

import jax, jax.numpy as jnp
import numpy as np

N_NODES = 10000
N_EDGES = 320000
D_FEAT = 128
D_HID = 16
D_LATENT = 7


def setup_inputs(seed: int = 0) -> dict:
    key = jax.random.key(seed)
    ks = jax.random.split(key, 8)
    x = jax.random.normal(ks[0], (N_NODES, D_FEAT), dtype=jnp.float32)
    edge_index = jax.random.randint(ks[1], (2, N_EDGES), 0, N_NODES, dtype=jnp.int32)
    W1 = jax.random.normal(ks[2], (D_FEAT, D_HID), dtype=jnp.float32) * 0.1
    b1 = jnp.zeros((D_HID,), dtype=jnp.float32)
    W2 = jax.random.normal(ks[3], (D_HID, D_LATENT), dtype=jnp.float32) * 0.1
    b2 = jnp.zeros((D_LATENT,), dtype=jnp.float32)
    W3 = jax.random.normal(ks[4], (D_HID, D_LATENT), dtype=jnp.float32) * 0.1
    b3 = jnp.zeros((D_LATENT,), dtype=jnp.float32)
    return {"x": x, "edge_index": edge_index, "W1": W1, "b1": b1, "W2": W2, "b2": b2, "W3": W3, "b3": b3}


def reference(x, edge_index, W1, b1, W2, b2, W3, b3):
    # GraphConvolution: out = A @ (X @ W) + b, with A given as sparse edge list.
    src = edge_index[0]
    dst = edge_index[1]

    def gcn(h, W, b, relu):
        m = h @ W                      # [N, d_out] dense transform
        msg = jnp.take(m, src, axis=0)  # gather source-node messages [E, d_out]
        agg = jnp.zeros((h.shape[0], W.shape[1]), dtype=m.dtype).at[dst].add(msg)  # scatter-add to dst
        out = agg + b
        if relu:
            out = jax.nn.relu(out)
        return out

    latent = gcn(x, W1, b1, relu=True)         # conv1, activation='relu'
    z_mean = gcn(latent, W2, b2, relu=False)    # conv2
    z_log_std = gcn(latent, W3, b3, relu=False)  # conv3
    # reparameterization: z = mu + N(0,1) * exp(log_std)
    eps = jax.random.normal(jax.random.key(1), z_mean.shape, dtype=z_mean.dtype)
    z_sample = z_mean + eps * jnp.exp(z_log_std)
    return z_sample

if __name__ == "__main__":
    import jax
    _d = setup_inputs()
    print(jax.jit(kernel)(*tuple(_d.values())))

</pallas_src>

<mosaic_0001>
#map = affine_map<(d0, d1) -> (0, 0)>
#map1 = affine_map<(d0, d1) -> (0, 0, 0)>
module attributes {stable_mosaic.version = 14 : i64} {
  func.func @_sc_agg_body(%arg0: i32, %arg1: i32, %arg2: memref<10000x16xf32, #tpu.memory_space<hbm>>, %arg3: memref<2560x128xi32, #tpu.memory_space<hbm>>, %arg4: memref<2560x128xi32, #tpu.memory_space<hbm>>, %arg5: memref<10112x16xf32, #tpu.memory_space<hbm>>, %arg6: memref<2x10112x16xf32, #tpu.memory_space<hbm>>, %arg7: memref<82x128xi32, #tpu.memory_space<vmem>>, %arg8: memref<80x128xi32, #tpu.memory_space<vmem>>, %arg9: memref<128x16xf32, #tpu.memory_space<vmem>>, %arg10: memref<128x16xf32, #tpu.memory_space<vmem>>, %arg11: memref<10112x16xf32, #tpu.memory_space<vmem_shared>>, %arg12: memref<10112x16xf32, #tpu.memory_space<vmem_shared>>, %arg13: memref<!tpu.dma_semaphore, #tpu.memory_space<semaphore_mem>>, %arg14: memref<!tpu.dma_semaphore, #tpu.memory_space<semaphore_mem>>) attributes {dimension_semantics = [#tpu.dimension_semantics<core_parallel>, #tpu.dimension_semantics<subcore_parallel>], iteration_bounds = array<i64: 2, 16>, scalar_prefetch = 0 : i64, scratch_operands = 8 : i64, tpu.core_type = #tpu.core_type<sc_vector_subcore>, window_params = [{transform_indices = #map}, {transform_indices = #map}, {transform_indices = #map}, {transform_indices = #map}, {transform_indices = #map1}]} {
    %mul3A = arith.constant 632 : i32
    %mul3A_0 = arith.muli %arg1, %mul3A : i32
    %mul3A_1 = arith.constant 632 : i32
    %mul3A_2 = arith.muli %arg1, %mul3A_1 : i32
    "tpu.region"() ({
      %run_scoped3A = tpu.sem_alloc : memref<!tpu.dma_semaphore, #tpu.memory_space<semaphore_mem>>
      %dma_start3A_49 = arith.constant 0 : i32
      %dma_start3A_50 = tpu.memref_slice %arg12[%mul3A_2, %dma_start3A_49] : memref<10112x16xf32, #tpu.memory_space<vmem_shared>> -> memref<632x16xf32, #tpu.memory_space<vmem_shared>>
      %dma_start3A_51 = arith.constant 0 : i32
      %dma_start3A_52 = tpu.memref_slice %arg5[%mul3A_0, %dma_start3A_51] : memref<10112x16xf32, #tpu.memory_space<hbm>> -> memref<632x16xf32, #tpu.memory_space<hbm>>
      tpu.enqueue_dma source(%dma_start3A_52 : memref<632x16xf32, #tpu.memory_space<hbm>>) target(%dma_start3A_50 : memref<632x16xf32, #tpu.memory_space<vmem_shared>>) target_semaphore(%run_scoped3A : memref<!tpu.dma_semaphore, #tpu.memory_space<semaphore_mem>>)
      %dma_wait3A_53 = arith.constant 0 : i32
      %dma_wait3A_54 = tpu.memref_slice %arg12[%mul3A_2, %dma_wait3A_53] : memref<10112x16xf32, #tpu.memory_space<vmem_shared>> -> memref<632x16xf32, #tpu.memory_space<vmem_shared>>
      %dma_wait3A_55 = arith.constant 0 : i32
      %dma_wait3A_56 = tpu.memref_slice %arg5[%mul3A_0, %dma_wait3A_55] : memref<10112x16xf32, #tpu.memory_space<hbm>> -> memref<632x16xf32, #tpu.memory_space<hbm>>
      tpu.wait_dma2 semaphore(%run_scoped3A : memref<!tpu.dma_semaphore, #tpu.memory_space<semaphore_mem>>) src(%dma_wait3A_56 : memref<632x16xf32, #tpu.memory_space<hbm>>) dst(%dma_wait3A_54 : memref<632x16xf32, #tpu.memory_space<vmem_shared>>)
      tpu.yield
    }) : () -> ()
    %mul3A_3 = arith.constant 16 : i32
    %mul3A_4 = arith.muli %arg0, %mul3A_3 : i32
    %add3A = arith.addi %mul3A_4, %arg1 : i32
    %mul3A_5 = arith.constant 80 : i32
    %mul3A_6 = arith.muli %add3A, %mul3A_5 : i32
    "tpu.region"() ({
      %run_scoped3A = tpu.sem_alloc : memref<!tpu.dma_semaphore, #tpu.memory_space<semaphore_mem>>
      %dma_start3A_49 = arith.constant 0 : i32
      %dma_start3A_50 = arith.constant 0 : i32
      %dma_start3A_51 = tpu.memref_slice %arg7[%dma_start3A_49, %dma_start3A_50] : memref<82x128xi32, #tpu.memory_space<vmem>> -> memref<80x128xi32, #tpu.memory_space<vmem>>
      %dma_start3A_52 = arith.constant 0 : i32
      %dma_start3A_53 = tpu.memref_slice %arg3[%mul3A_6, %dma_start3A_52] : memref<2560x128xi32, #tpu.memory_space<hbm>> -> memref<80x128xi32, #tpu.memory_space<hbm>>
      %dma_start3A_54 = arith.constant 0 : i32
      %dma_start3A_55 = arith.constant 0 : i32
      %dma_start3A_56 = tpu.memref_slice %arg7[%dma_start3A_54, %dma_start3A_55] : memref<82x128xi32, #tpu.memory_space<vmem>> -> memref<80x128xi32, #tpu.memory_space<vmem>>
      %dma_start3A_57 = arith.constant 0 : i32
      %dma_start3A_58 = tpu.memref_slice %arg3[%mul3A_6, %dma_start3A_57] : memref<2560x128xi32, #tpu.memory_space<hbm>> -> memref<80x128xi32, #tpu.memory_space<hbm>>
      tpu.enqueue_dma source(%dma_start3A_58 : memref<80x128xi32, #tpu.memory_space<hbm>>) target(%dma_start3A_56 : memref<80x128xi32, #tpu.memory_space<vmem>>) target_semaphore(%run_scoped3A : memref<!tpu.dma_semaphore, #tpu.memory_space<semaphore_mem>>)
      %dma_wait3A_59 = arith.constant 0 : i32
      %dma_wait3A_60 = arith.constant 0 : i32
      %dma_wait3A_61 = tpu.memref_slice %arg7[%dma_wait3A_59, %dma_wait3A_60] : memref<82x128xi32, #tpu.memory_space<vmem>> -> memref<80x128xi32, #tpu.memory_space<vmem>>
      %dma_wait3A_62 = arith.constant 0 : i32
      %dma_wait3A_63 = tpu.memref_slice %arg3[%mul3A_6, %dma_wait3A_62] : memref<2560x128xi32, #tpu.memory_space<hbm>> -> memref<80x128xi32, #tpu.memory_space<hbm>>
      %dma_wait3A_64 = arith.constant 0 : i32
      %dma_wait3A_65 = arith.constant 0 : i32
      %dma_wait3A_66 = tpu.memref_slice %arg7[%dma_wait3A_64, %dma_wait3A_65] : memref<82x128xi32, #tpu.memory_space<vmem>> -> memref<80x128xi32, #tpu.memory_space<vmem>>
      %dma_wait3A_67 = arith.constant 0 : i32
      %dma_wait3A_68 = tpu.memref_slice %arg3[%mul3A_6, %dma_wait3A_67] : memref<2560x128xi32, #tpu.memory_space<hbm>> -> memref<80x128xi32, #tpu.memory_space<hbm>>
      tpu.wait_dma2 semaphore(%run_scoped3A : memref<!tpu.dma_semaphore, #tpu.memory_space<semaphore_mem>>) src(%dma_wait3A_68 : memref<80x128xi32, #tpu.memory_space<hbm>>) dst(%dma_wait3A_66 : memref<80x128xi32, #tpu.memory_space<vmem>>)
      tpu.yield
    }) : () -> ()
    "tpu.region"() ({
      %run_scoped3A = tpu.sem_alloc : memref<!tpu.dma_semaphore, #tpu.memory_space<semaphore_mem>>
      %dma_start3A_49 = arith.constant 0 : i32
      %dma_start3A_50 = arith.constant 0 : i32
      %dma_start3A_51 = tpu.memref_slice %arg8[%dma_start3A_49, %dma_start3A_50] : memref<80x128xi32, #tpu.memory_space<vmem>> -> memref<80x128xi32, #tpu.memory_space<vmem>>
      %dma_start3A_52 = arith.constant 0 : i32
      %dma_start3A_53 = tpu.memref_slice %arg4[%mul3A_6, %dma_start3A_52] : memref<2560x128xi32, #tpu.memory_space<hbm>> -> memref<80x128xi32, #tpu.memory_space<hbm>>
      %dma_start3A_54 = arith.constant 0 : i32
      %dma_start3A_55 = arith.constant 0 : i32
      %dma_start3A_56 = tpu.memref_slice %arg8[%dma_start3A_54, %dma_start3A_55] : memref<80x128xi32, #tpu.memory_space<vmem>> -> memref<80x128xi32, #tpu.memory_space<vmem>>
      %dma_start3A_57 = arith.constant 0 : i32
      %dma_start3A_58 = tpu.memref_slice %arg4[%mul3A_6, %dma_start3A_57] : memref<2560x128xi32, #tpu.memory_space<hbm>> -> memref<80x128xi32, #tpu.memory_space<hbm>>
      tpu.enqueue_dma source(%dma_start3A_58 : memref<80x128xi32, #tpu.memory_space<hbm>>) target(%dma_start3A_56 : memref<80x128xi32, #tpu.memory_space<vmem>>) target_semaphore(%run_scoped3A : memref<!tpu.dma_semaphore, #tpu.memory_space<semaphore_mem>>)
      %dma_wait3A_59 = arith.constant 0 : i32
      %dma_wait3A_60 = arith.constant 0 : i32
      %dma_wait3A_61 = tpu.memref_slice %arg8[%dma_wait3A_59, %dma_wait3A_60] : memref<80x128xi32, #tpu.memory_space<vmem>> -> memref<80x128xi32, #tpu.memory_space<vmem>>
      %dma_wait3A_62 = arith.constant 0 : i32
      %dma_wait3A_63 = tpu.memref_slice %arg4[%mul3A_6, %dma_wait3A_62] : memref<2560x128xi32, #tpu.memory_space<hbm>> -> memref<80x128xi32, #tpu.memory_space<hbm>>
      %dma_wait3A_64 = arith.constant 0 : i32
      %dma_wait3A_65 = arith.constant 0 : i32
      %dma_wait3A_66 = tpu.memref_slice %arg8[%dma_wait3A_64, %dma_wait3A_65] : memref<80x128xi32, #tpu.memory_space<vmem>> -> memref<80x128xi32, #tpu.memory_space<vmem>>
      %dma_wait3A_67 = arith.constant 0 : i32
      %dma_wait3A_68 = tpu.memref_slice %arg4[%mul3A_6, %dma_wait3A_67] : memref<2560x128xi32, #tpu.memory_space<hbm>> -> memref<80x128xi32, #tpu.memory_space<hbm>>
      tpu.wait_dma2 semaphore(%run_scoped3A : memref<!tpu.dma_semaphore, #tpu.memory_space<semaphore_mem>>) src(%dma_wait3A_68 : memref<80x128xi32, #tpu.memory_space<hbm>>) dst(%dma_wait3A_66 : memref<80x128xi32, #tpu.memory_space<vmem>>)
      tpu.yield
    }) : () -> ()
    "tpu.region"() ({
      %run_scoped3A = tpu.sem_alloc : memref<!tpu.dma_semaphore, #tpu.memory_space<semaphore_mem>>
      %dma_start3A_49 = arith.constant 80 : i32
      %dma_start3A_50 = arith.constant 0 : i32
      %dma_start3A_51 = tpu.memref_slice %arg7[%dma_start3A_49, %dma_start3A_50] : memref<82x128xi32, #tpu.memory_space<vmem>> -> memref<2x128xi32, #tpu.memory_space<vmem>>
      %dma_start3A_52 = arith.constant 0 : i32
      %dma_start3A_53 = tpu.memref_slice %arg3[%mul3A_6, %dma_start3A_52] : memref<2560x128xi32, #tpu.memory_space<hbm>> -> memref<2x128xi32, #tpu.memory_space<hbm>>
      %dma_start3A_54 = arith.constant 80 : i32
      %dma_start3A_55 = arith.constant 0 : i32
      %dma_start3A_56 = tpu.memref_slice %arg7[%dma_start3A_54, %dma_start3A_55] : memref<82x128xi32, #tpu.memory_space<vmem>> -> memref<2x128xi32, #tpu.memory_space<vmem>>
      %dma_start3A_57 = arith.constant 0 : i32
      %dma_start3A_58 = tpu.memref_slice %arg3[%mul3A_6, %dma_start3A_57] : memref<2560x128xi32, #tpu.memory_space<hbm>> -> memref<2x128xi32, #tpu.memory_space<hbm>>
      tpu.enqueue_dma source(%dma_start3A_58 : memref<2x128xi32, #tpu.memory_space<hbm>>) target(%dma_start3A_56 : memref<2x128xi32, #tpu.memory_space<vmem>>) target_semaphore(%run_scoped3A : memref<!tpu.dma_semaphore, #tpu.memory_space<semaphore_mem>>)
      %dma_wait3A_59 = arith.constant 80 : i32
      %dma_wait3A_60 = arith.constant 0 : i32
      %dma_wait3A_61 = tpu.memref_slice %arg7[%dma_wait3A_59, %dma_wait3A_60] : memref<82x128xi32, #tpu.memory_space<vmem>> -> memref<2x128xi32, #tpu.memory_space<vmem>>
      %dma_wait3A_62 = arith.constant 0 : i32
      %dma_wait3A_63 = tpu.memref_slice %arg3[%mul3A_6, %dma_wait3A_62] : memref<2560x128xi32, #tpu.memory_space<hbm>> -> memref<2x128xi32, #tpu.memory_space<hbm>>
      %dma_wait3A_64 = arith.constant 80 : i32
      %dma_wait3A_65 = arith.constant 0 : i32
      %dma_wait3A_66 = tpu.memref_slice %arg7[%dma_wait3A_64, %dma_wait3A_65] : memref<82x128xi32, #tpu.memory_space<vmem>> -> memref<2x128xi32, #tpu.memory_space<vmem>>
      %dma_wait3A_67 = arith.constant 0 : i32
      %dma_wait3A_68 = tpu.memref_slice %arg3[%mul3A_6, %dma_wait3A_67] : memref<2560x128xi32, #tpu.memory_space<hbm>> -> memref<2x128xi32, #tpu.memory_space<hbm>>
      tpu.wait_dma2 semaphore(%run_scoped3A : memref<!tpu.dma_semaphore, #tpu.memory_space<semaphore_mem>>) src(%dma_wait3A_68 : memref<2x128xi32, #tpu.memory_space<hbm>>) dst(%dma_wait3A_66 : memref<2x128xi32, #tpu.memory_space<vmem>>)
      tpu.yield
    }) : () -> ()
    %lt3A = arith.constant 15 : i32
    %lt3A_7 = arith.cmpi slt, %arg1, %lt3A : i32
    %convert_element_type3A = arith.extui %lt3A_7 : i1 to i32
    %cond3A = arith.constant 0 : i32
    %cond3A_8 = arith.cmpi ne, %convert_element_type3A, %cond3A : i32
    scf.if %cond3A_8 {
      %mul3A_49 = arith.constant 632 : i32
      %mul3A_50 = arith.muli %arg1, %mul3A_49 : i32
      %mul3A_51 = arith.constant 632 : i32
      %mul3A_52 = arith.muli %arg1, %mul3A_51 : i32
      "tpu.region"() ({
        %run_scoped3A = tpu.sem_alloc : memref<!tpu.dma_semaphore, #tpu.memory_space<semaphore_mem>>
        %dma_start3A_53 = arith.constant 0 : i32
        %dma_start3A_54 = tpu.memref_slice %arg11[%mul3A_52, %dma_start3A_53] : memref<10112x16xf32, #tpu.memory_space<vmem_shared>> -> memref<632x16xf32, #tpu.memory_space<vmem_shared>>
        %dma_start3A_55 = arith.constant 0 : i32
        %dma_start3A_56 = tpu.memref_slice %arg2[%mul3A_50, %dma_start3A_55] : memref<10000x16xf32, #tpu.memory_space<hbm>> -> memref<632x16xf32, #tpu.memory_space<hbm>>
        tpu.enqueue_dma source(%dma_start3A_56 : memref<632x16xf32, #tpu.memory_space<hbm>>) target(%dma_start3A_54 : memref<632x16xf32, #tpu.memory_space<vmem_shared>>) target_semaphore(%run_scoped3A : memref<!tpu.dma_semaphore, #tpu.memory_space<semaphore_mem>>)
        %dma_wait3A_57 = arith.constant 0 : i32
        %dma_wait3A_58 = tpu.memref_slice %arg11[%mul3A_52, %dma_wait3A_57] : memref<10112x16xf32, #tpu.memory_space<vmem_shared>> -> memref<632x16xf32, #tpu.memory_space<vmem_shared>>
        %dma_wait3A_59 = arith.constant 0 : i32
        %dma_wait3A_60 = tpu.memref_slice %arg2[%mul3A_50, %dma_wait3A_59] : memref<10000x16xf32, #tpu.memory_space<hbm>> -> memref<632x16xf32, #tpu.memory_space<hbm>>
        tpu.wait_dma2 semaphore(%run_scoped3A : memref<!tpu.dma_semaphore, #tpu.memory_space<semaphore_mem>>) src(%dma_wait3A_60 : memref<632x16xf32, #tpu.memory_space<hbm>>) dst(%dma_wait3A_58 : memref<632x16xf32, #tpu.memory_space<vmem_shared>>)
        tpu.yield
      }) : () -> ()
    } else {
    }
    %eq3A = arith.constant 15 : i32
    %eq3A_9 = arith.cmpi eq, %arg1, %eq3A : i32
    %convert_element_type3A_10 = arith.extui %eq3A_9 : i1 to i32
    %cond3A_11 = arith.constant 0 : i32
    %cond3A_12 = arith.cmpi ne, %convert_element_type3A_10, %cond3A_11 : i32
    scf.if %cond3A_12 {
      "tpu.region"() ({
        %run_scoped3A = tpu.sem_alloc : memref<!tpu.dma_semaphore, #tpu.memory_space<semaphore_mem>>
        %dma_start3A_49 = arith.constant 9480 : i32
        %dma_start3A_50 = arith.constant 0 : i32
        %dma_start3A_51 = tpu.memref_slice %arg11[%dma_start3A_49, %dma_start3A_50] : memref<10112x16xf32, #tpu.memory_space<vmem_shared>> -> memref<520x16xf32, #tpu.memory_space<vmem_shared>>
        %dma_start3A_52 = arith.constant 9480 : i32
        %dma_start3A_53 = arith.constant 0 : i32
        %dma_start3A_54 = tpu.memref_slice %arg2[%dma_start3A_52, %dma_start3A_53] : memref<10000x16xf32, #tpu.memory_space<hbm>> -> memref<520x16xf32, #tpu.memory_space<hbm>>
        tpu.enqueue_dma source(%dma_start3A_54 : memref<520x16xf32, #tpu.memory_space<hbm>>) target(%dma_start3A_51 : memref<520x16xf32, #tpu.memory_space<vmem_shared>>) target_semaphore(%run_scoped3A : memref<!tpu.dma_semaphore, #tpu.memory_space<semaphore_mem>>)
        %dma_wait3A_55 = arith.constant 9480 : i32
        %dma_wait3A_56 = arith.constant 0 : i32
        %dma_wait3A_57 = tpu.memref_slice %arg11[%dma_wait3A_55, %dma_wait3A_56] : memref<10112x16xf32, #tpu.memory_space<vmem_shared>> -> memref<520x16xf32, #tpu.memory_space<vmem_shared>>
        %dma_wait3A_58 = arith.constant 9480 : i32
        %dma_wait3A_59 = arith.constant 0 : i32
        %dma_wait3A_60 = tpu.memref_slice %arg2[%dma_wait3A_58, %dma_wait3A_59] : memref<10000x16xf32, #tpu.memory_space<hbm>> -> memref<520x16xf32, #tpu.memory_space<hbm>>
        tpu.wait_dma2 semaphore(%run_scoped3A : memref<!tpu.dma_semaphore, #tpu.memory_space<semaphore_mem>>) src(%dma_wait3A_60 : memref<520x16xf32, #tpu.memory_space<hbm>>) dst(%dma_wait3A_57 : memref<520x16xf32, #tpu.memory_space<vmem_shared>>)
        tpu.yield
      }) : () -> ()
    } else {
    }
    %barrier3A = arith.constant 0 : index
    tpu.barrier barrier_id(%barrier3A)
    %dma_start3A = arith.constant 0 : i32
    %dma_start3A_13 = arith.constant 0 : i32
    %dma_start3A_14 = tpu.memref_slice %arg7[%dma_start3A, %dma_start3A_13] : memref<82x128xi32, #tpu.memory_space<vmem>> -> memref<1x128xi32, #tpu.memory_space<vmem>>
    %dma_start3A_15 = tpu.memref_squeeze %dma_start3A_14 : memref<1x128xi32, #tpu.memory_space<vmem>> -> memref<128xi32, #tpu.memory_space<vmem>>
    %dma_start3A_16 = arith.constant 0 : i32
    %dma_start3A_17 = arith.constant 0 : i32
    %dma_start3A_18 = tpu.memref_slice %arg11[%dma_start3A_16, %dma_start3A_17] : memref<10112x16xf32, #tpu.memory_space<vmem_shared>> -> memref<10112x16xf32, #tpu.memory_space<vmem_shared>>
    tpu.enqueue_indirect_dma source(%dma_start3A_18 : memref<10112x16xf32, #tpu.memory_space<vmem_shared>>) target(%arg9 : memref<128x16xf32, #tpu.memory_space<vmem>>) offsets(%dma_start3A_15 : memref<128xi32, #tpu.memory_space<vmem>>) semaphore(%arg13 : memref<!tpu.dma_semaphore, #tpu.memory_space<semaphore_mem>>)
    %dma_start3A_19 = arith.constant 1 : i32
    %dma_start3A_20 = arith.constant 0 : i32
    %dma_start3A_21 = tpu.memref_slice %arg7[%dma_start3A_19, %dma_start3A_20] : memref<82x128xi32, #tpu.memory_space<vmem>> -> memref<1x128xi32, #tpu.memory_space<vmem>>
    %dma_start3A_22 = tpu.memref_squeeze %dma_start3A_21 : memref<1x128xi32, #tpu.memory_space<vmem>> -> memref<128xi32, #tpu.memory_space<vmem>>
    %dma_start3A_23 = arith.constant 0 : i32
    %dma_start3A_24 = arith.constant 0 : i32
    %dma_start3A_25 = tpu.memref_slice %arg11[%dma_start3A_23, %dma_start3A_24] : memref<10112x16xf32, #tpu.memory_space<vmem_shared>> -> memref<10112x16xf32, #tpu.memory_space<vmem_shared>>
    tpu.enqueue_indirect_dma source(%dma_start3A_25 : memref<10112x16xf32, #tpu.memory_space<vmem_shared>>) target(%arg10 : memref<128x16xf32, #tpu.memory_space<vmem>>) offsets(%dma_start3A_22 : memref<128xi32, #tpu.memory_space<vmem>>) semaphore(%arg14 : memref<!tpu.dma_semaphore, #tpu.memory_space<semaphore_mem>>)
    %scan3A = arith.constant 0 : i32
    %scan3A_26 = arith.constant 0 : i32
    %scan3A_27 = arith.constant 40 : i32
    %scan3A_28 = arith.addi %scan3A_26, %scan3A_27 : i32
    %scan3A_29 = arith.constant 1 : i32
    scf.for %scan3A_49 = %scan3A_26 to %scan3A_28 step %scan3A_29  : i32 {
      %mul3A_50 = arith.constant 2 : i32
      %mul3A_51 = arith.muli %mul3A_50, %scan3A_49 : i32
      %dma_wait3A_52 = arith.constant 0 : i32
      %dma_wait3A_53 = arith.constant 0 : i32
      %dma_wait3A_54 = tpu.memref_slice %arg7[%dma_wait3A_52, %dma_wait3A_53] : memref<82x128xi32, #tpu.memory_space<vmem>> -> memref<1x128xi32, #tpu.memory_space<vmem>>
      %dma_wait3A_55 = tpu.memref_squeeze %dma_wait3A_54 : memref<1x128xi32, #tpu.memory_space<vmem>> -> memref<128xi32, #tpu.memory_space<vmem>>
      %dma_wait3A_56 = arith.constant 0 : i32
      %dma_wait3A_57 = arith.constant 0 : i32
      %dma_wait3A_58 = tpu.memref_slice %arg11[%dma_wait3A_56, %dma_wait3A_57] : memref<10112x16xf32, #tpu.memory_space<vmem_shared>> -> memref<10112x16xf32, #tpu.memory_space<vmem_shared>>
      tpu.wait_indirect_dma semaphore(%arg13 : memref<!tpu.dma_semaphore, #tpu.memory_space<semaphore_mem>>) src(%dma_wait3A_58 : memref<10112x16xf32, #tpu.memory_space<vmem_shared>>) dst(%arg9 : memref<128x16xf32, #tpu.memory_space<vmem>>)
      %add3A_59 = arith.constant 0 : i32
      %add3A_60 = arith.addi %mul3A_51, %add3A_59 : i32
      "tpu.region"() ({
        %run_scoped3A = tpu.sem_alloc : memref<!tpu.dma_semaphore, #tpu.memory_space<semaphore_mem>>
        %dma_start3A_90 = arith.constant 0 : i32
        %dma_start3A_91 = tpu.memref_slice %arg8[%add3A_60, %dma_start3A_90] : memref<80x128xi32, #tpu.memory_space<vmem>> -> memref<1x128xi32, #tpu.memory_space<vmem>>
        %dma_start3A_92 = tpu.memref_squeeze %dma_start3A_91 : memref<1x128xi32, #tpu.memory_space<vmem>> -> memref<128xi32, #tpu.memory_space<vmem>>
        %dma_start3A_93 = arith.constant 0 : i32
        %dma_start3A_94 = arith.constant 0 : i32
        %dma_start3A_95 = tpu.memref_slice %arg12[%dma_start3A_93, %dma_start3A_94] : memref<10112x16xf32, #tpu.memory_space<vmem_shared>> -> memref<10112x16xf32, #tpu.memory_space<vmem_shared>>
        tpu.enqueue_indirect_dma source(%arg9 : memref<128x16xf32, #tpu.memory_space<vmem>>) target(%dma_start3A_95 : memref<10112x16xf32, #tpu.memory_space<vmem_shared>>) offsets(%dma_start3A_92 : memref<128xi32, #tpu.memory_space<vmem>>) semaphore(%run_scoped3A : memref<!tpu.dma_semaphore, #tpu.memory_space<semaphore_mem>>) {add = true}
        %dma_wait3A_96 = arith.constant 0 : i32
        %dma_wait3A_97 = tpu.memref_slice %arg8[%add3A_60, %dma_wait3A_96] : memref<80x128xi32, #tpu.memory_space<vmem>> -> memref<1x128xi32, #tpu.memory_space<vmem>>
        %dma_wait3A_98 = tpu.memref_squeeze %dma_wait3A_97 : memref<1x128xi32, #tpu.memory_space<vmem>> -> memref<128xi32, #tpu.memory_space<vmem>>
        %dma_wait3A_99 = arith.constant 0 : i32
        %dma_wait3A_100 = arith.constant 0 : i32
        %dma_wait3A_101 = tpu.memref_slice %arg12[%dma_wait3A_99, %dma_wait3A_100] : memref<10112x16xf32, #tpu.memory_space<vmem_shared>> -> memref<10112x16xf32, #tpu.memory_space<vmem_shared>>
        tpu.wait_indirect_dma semaphore(%run_scoped3A : memref<!tpu.dma_semaphore, #tpu.memory_space<semaphore_mem>>) src(%arg9 : memref<128x16xf32, #tpu.memory_space<vmem>>) dst(%dma_wait3A_101 : memref<10112x16xf32, #tpu.memory_space<vmem_shared>>)
        tpu.yield
      }) : () -> ()
      %add3A_61 = arith.constant 2 : i32
      %add3A_62 = arith.addi %mul3A_51, %add3A_61 : i32
      %add3A_63 = arith.constant 0 : i32
      %add3A_64 = arith.addi %add3A_62, %add3A_63 : i32
      %dma_start3A_65 = arith.constant 0 : i32
      %dma_start3A_66 = tpu.memref_slice %arg7[%add3A_64, %dma_start3A_65] : memref<82x128xi32, #tpu.memory_space<vmem>> -> memref<1x128xi32, #tpu.memory_space<vmem>>
      %dma_start3A_67 = tpu.memref_squeeze %dma_start3A_66 : memref<1x128xi32, #tpu.memory_space<vmem>> -> memref<128xi32, #tpu.memory_space<vmem>>
      %dma_start3A_68 = arith.constant 0 : i32
      %dma_start3A_69 = arith.constant 0 : i32
      %dma_start3A_70 = tpu.memref_slice %arg11[%dma_start3A_68, %dma_start3A_69] : memref<10112x16xf32, #tpu.memory_space<vmem_shared>> -> memref<10112x16xf32, #tpu.memory_space<vmem_shared>>
      tpu.enqueue_indirect_dma source(%dma_start3A_70 : memref<10112x16xf32, #tpu.memory_space<vmem_shared>>) target(%arg9 : memref<128x16xf32, #tpu.memory_space<vmem>>) offsets(%dma_start3A_67 : memref<128xi32, #tpu.memory_space<vmem>>) semaphore(%arg13 : memref<!tpu.dma_semaphore, #tpu.memory_space<semaphore_mem>>)
      %dma_wait3A_71 = arith.constant 0 : i32
      %dma_wait3A_72 = arith.constant 0 : i32
      %dma_wait3A_73 = tpu.memref_slice %arg7[%dma_wait3A_71, %dma_wait3A_72] : memref<82x128xi32, #tpu.memory_space<vmem>> -> memref<1x128xi32, #tpu.memory_space<vmem>>
      %dma_wait3A_74 = tpu.memref_squeeze %dma_wait3A_73 : memref<1x128xi32, #tpu.memory_space<vmem>> -> memref<128xi32, #tpu.memory_space<vmem>>
      %dma_wait3A_75 = arith.constant 0 : i32
      %dma_wait3A_76 = arith.constant 0 : i32
      %dma_wait3A_77 = tpu.memref_slice %arg11[%dma_wait3A_75, %dma_wait3A_76] : memref<10112x16xf32, #tpu.memory_space<vmem_shared>> -> memref<10112x16xf32, #tpu.memory_space<vmem_shared>>
      tpu.wait_indirect_dma semaphore(%arg14 : memref<!tpu.dma_semaphore, #tpu.memory_space<semaphore_mem>>) src(%dma_wait3A_77 : memref<10112x16xf32, #tpu.memory_space<vmem_shared>>) dst(%arg10 : memref<128x16xf32, #tpu.memory_space<vmem>>)
      %add3A_78 = arith.constant 1 : i32
      %add3A_79 = arith.addi %mul3A_51, %add3A_78 : i32
      "tpu.region"() ({
        %run_scoped3A = tpu.sem_alloc : memref<!tpu.dma_semaphore, #tpu.memory_space<semaphore_mem>>
        %dma_start3A_90 = arith.constant 0 : i32
        %dma_start3A_91 = tpu.memref_slice %arg8[%add3A_79, %dma_start3A_90] : memref<80x128xi32, #tpu.memory_space<vmem>> -> memref<1x128xi32, #tpu.memory_space<vmem>>
        %dma_start3A_92 = tpu.memref_squeeze %dma_start3A_91 : memref<1x128xi32, #tpu.memory_space<vmem>> -> memref<128xi32, #tpu.memory_space<vmem>>
        %dma_start3A_93 = arith.constant 0 : i32
        %dma_start3A_94 = arith.constant 0 : i32
        %dma_start3A_95 = tpu.memref_slice %arg12[%dma_start3A_93, %dma_start3A_94] : memref<10112x16xf32, #tpu.memory_space<vmem_shared>> -> memref<10112x16xf32, #tpu.memory_space<vmem_shared>>
        tpu.enqueue_indirect_dma source(%arg10 : memref<128x16xf32, #tpu.memory_space<vmem>>) target(%dma_start3A_95 : memref<10112x16xf32, #tpu.memory_space<vmem_shared>>) offsets(%dma_start3A_92 : memref<128xi32, #tpu.memory_space<vmem>>) semaphore(%run_scoped3A : memref<!tpu.dma_semaphore, #tpu.memory_space<semaphore_mem>>) {add = true}
        %dma_wait3A_96 = arith.constant 0 : i32
        %dma_wait3A_97 = tpu.memref_slice %arg8[%add3A_79, %dma_wait3A_96] : memref<80x128xi32, #tpu.memory_space<vmem>> -> memref<1x128xi32, #tpu.memory_space<vmem>>
        %dma_wait3A_98 = tpu.memref_squeeze %dma_wait3A_97 : memref<1x128xi32, #tpu.memory_space<vmem>> -> memref<128xi32, #tpu.memory_space<vmem>>
        %dma_wait3A_99 = arith.constant 0 : i32
        %dma_wait3A_100 = arith.constant 0 : i32
        %dma_wait3A_101 = tpu.memref_slice %arg12[%dma_wait3A_99, %dma_wait3A_100] : memref<10112x16xf32, #tpu.memory_space<vmem_shared>> -> memref<10112x16xf32, #tpu.memory_space<vmem_shared>>
        tpu.wait_indirect_dma semaphore(%run_scoped3A : memref<!tpu.dma_semaphore, #tpu.memory_space<semaphore_mem>>) src(%arg10 : memref<128x16xf32, #tpu.memory_space<vmem>>) dst(%dma_wait3A_101 : memref<10112x16xf32, #tpu.memory_space<vmem_shared>>)
        tpu.yield
      }) : () -> ()
      %add3A_80 = arith.constant 2 : i32
      %add3A_81 = arith.addi %mul3A_51, %add3A_80 : i32
      %add3A_82 = arith.constant 1 : i32
      %add3A_83 = arith.addi %add3A_81, %add3A_82 : i32
      %dma_start3A_84 = arith.constant 0 : i32
      %dma_start3A_85 = tpu.memref_slice %arg7[%add3A_83, %dma_start3A_84] : memref<82x128xi32, #tpu.memory_space<vmem>> -> memref<1x128xi32, #tpu.memory_space<vmem>>
      %dma_start3A_86 = tpu.memref_squeeze %dma_start3A_85 : memref<1x128xi32, #tpu.memory_space<vmem>> -> memref<128xi32, #tpu.memory_space<vmem>>
      %dma_start3A_87 = arith.constant 0 : i32
      %dma_start3A_88 = arith.constant 0 : i32
      %dma_start3A_89 = tpu.memref_slice %arg11[%dma_start3A_87, %dma_start3A_88] : memref<10112x16xf32, #tpu.memory_space<vmem_shared>> -> memref<10112x16xf32, #tpu.memory_space<vmem_shared>>
      tpu.enqueue_indirect_dma source(%dma_start3A_89 : memref<10112x16xf32, #tpu.memory_space<vmem_shared>>) target(%arg10 : memref<128x16xf32, #tpu.memory_space<vmem>>) offsets(%dma_start3A_86 : memref<128xi32, #tpu.memory_space<vmem>>) semaphore(%arg14 : memref<!tpu.dma_semaphore, #tpu.memory_space<semaphore_mem>>)
    }
    %scan3A_30 = arith.constant 40 : i32
    %dma_wait3A = arith.constant 0 : i32
    %dma_wait3A_31 = arith.constant 0 : i32
    %dma_wait3A_32 = tpu.memref_slice %arg7[%dma_wait3A, %dma_wait3A_31] : memref<82x128xi32, #tpu.memory_space<vmem>> -> memref<1x128xi32, #tpu.memory_space<vmem>>
    %dma_wait3A_33 = tpu.memref_squeeze %dma_wait3A_32 : memref<1x128xi32, #tpu.memory_space<vmem>> -> memref<128xi32, #tpu.memory_space<vmem>>
    %dma_wait3A_34 = arith.constant 0 : i32
    %dma_wait3A_35 = arith.constant 0 : i32
    %dma_wait3A_36 = tpu.memref_slice %arg11[%dma_wait3A_34, %dma_wait3A_35] : memref<10112x16xf32, #tpu.memory_space<vmem_shared>> -> memref<10112x16xf32, #tpu.memory_space<vmem_shared>>
    tpu.wait_indirect_dma semaphore(%arg13 : memref<!tpu.dma_semaphore, #tpu.memory_space<semaphore_mem>>) src(%dma_wait3A_36 : memref<10112x16xf32, #tpu.memory_space<vmem_shared>>) dst(%arg9 : memref<128x16xf32, #tpu.memory_space<vmem>>)
    %dma_wait3A_37 = arith.constant 0 : i32
    %dma_wait3A_38 = arith.constant 0 : i32
    %dma_wait3A_39 = tpu.memref_slice %arg7[%dma_wait3A_37, %dma_wait3A_38] : memref<82x128xi32, #tpu.memory_space<vmem>> -> memref<1x128xi32, #tpu.memory_space<vmem>>
    %dma_wait3A_40 = tpu.memref_squeeze %dma_wait3A_39 : memref<1x128xi32, #tpu.memory_space<vmem>> -> memref<128xi32, #tpu.memory_space<vmem>>
    %dma_wait3A_41 = arith.constant 0 : i32
    %dma_wait3A_42 = arith.constant 0 : i32
    %dma_wait3A_43 = tpu.memref_slice %arg11[%dma_wait3A_41, %dma_wait3A_42] : memref<10112x16xf32, #tpu.memory_space<vmem_shared>> -> memref<10112x16xf32, #tpu.memory_space<vmem_shared>>
    tpu.wait_indirect_dma semaphore(%arg14 : memref<!tpu.dma_semaphore, #tpu.memory_space<semaphore_mem>>) src(%dma_wait3A_43 : memref<10112x16xf32, #tpu.memory_space<vmem_shared>>) dst(%arg10 : memref<128x16xf32, #tpu.memory_space<vmem>>)
    %barrier3A_44 = arith.constant 0 : index
    tpu.barrier barrier_id(%barrier3A_44)
    %mul3A_45 = arith.constant 632 : i32
    %mul3A_46 = arith.muli %arg1, %mul3A_45 : i32
    %mul3A_47 = arith.constant 632 : i32
    %mul3A_48 = arith.muli %arg1, %mul3A_47 : i32
    "tpu.region"() ({
      %run_scoped3A = tpu.sem_alloc : memref<!tpu.dma_semaphore, #tpu.memory_space<semaphore_mem>>
      %dma_start3A_49 = arith.constant 0 : i32
      %dma_start3A_50 = tpu.memref_slice %arg6[%arg0, %mul3A_48, %dma_start3A_49] : memref<2x10112x16xf32, #tpu.memory_space<hbm>> -> memref<1x632x16xf32, #tpu.memory_space<hbm>>
      %dma_start3A_51 = tpu.memref_squeeze %dma_start3A_50 : memref<1x632x16xf32, #tpu.memory_space<hbm>> -> memref<632x16xf32, #tpu.memory_space<hbm>>
      %dma_start3A_52 = arith.constant 0 : i32
      %dma_start3A_53 = tpu.memref_slice %arg12[%mul3A_46, %dma_start3A_52] : memref<10112x16xf32, #tpu.memory_space<vmem_shared>> -> memref<632x16xf32, #tpu.memory_space<vmem_shared>>
      tpu.enqueue_dma source(%dma_start3A_53 : memref<632x16xf32, #tpu.memory_space<vmem_shared>>) target(%dma_start3A_51 : memref<632x16xf32, #tpu.memory_space<hbm>>) target_semaphore(%run_scoped3A : memref<!tpu.dma_semaphore, #tpu.memory_space<semaphore_mem>>)
      %dma_wait3A_54 = arith.constant 0 : i32
      %dma_wait3A_55 = tpu.memref_slice %arg6[%arg0, %mul3A_48, %dma_wait3A_54] : memref<2x10112x16xf32, #tpu.memory_space<hbm>> -> memref<1x632x16xf32, #tpu.memory_space<hbm>>
      %dma_wait3A_56 = tpu.memref_squeeze %dma_wait3A_55 : memref<1x632x16xf32, #tpu.memory_space<hbm>> -> memref<632x16xf32, #tpu.memory_space<hbm>>
      %dma_wait3A_57 = arith.constant 0 : i32
      %dma_wait3A_58 = tpu.memref_slice %arg12[%mul3A_46, %dma_wait3A_57] : memref<10112x16xf32, #tpu.memory_space<vmem_shared>> -> memref<632x16xf32, #tpu.memory_space<vmem_shared>>
      tpu.wait_dma2 semaphore(%run_scoped3A : memref<!tpu.dma_semaphore, #tpu.memory_space<semaphore_mem>>) src(%dma_wait3A_58 : memref<632x16xf32, #tpu.memory_space<vmem_shared>>) dst(%dma_wait3A_56 : memref<632x16xf32, #tpu.memory_space<hbm>>)
      tpu.yield
    }) : () -> ()
    return
  }
}

#map = affine_map<(d0, d1) -> (0, 0)>
#map1 = affine_map<(d0, d1) -> (0, 0, 0)>
module attributes {stable_mosaic.version = 14 : i64} {
  func.func @_sc_agg_body(%arg0: i32, %arg1: i32, %arg2: memref<10000x16xf32, #tpu.memory_space<hbm>>, %arg3: memref<2560x128xi32, #tpu.memory_space<hbm>>, %arg4: memref<2560x128xi32, #tpu.memory_space<hbm>>, %arg5: memref<10112x16xf32, #tpu.memory_space<hbm>>, %arg6: memref<2x10112x16xf32, #tpu.memory_space<hbm>>, %arg7: memref<82x128xi32, #tpu.memory_space<vmem>>, %arg8: memref<80x128xi32, #tpu.memory_space<vmem>>, %arg9: memref<128x16xf32, #tpu.memory_space<vmem>>, %arg10: memref<128x16xf32, #tpu.memory_space<vmem>>, %arg11: memref<10112x16xf32, #tpu.memory_space<vmem_shared>>, %arg12: memref<10112x16xf32, #tpu.memory_space<vmem_shared>>, %arg13: memref<!tpu.dma_semaphore, #tpu.memory_space<semaphore_mem>>, %arg14: memref<!tpu.dma_semaphore, #tpu.memory_space<semaphore_mem>>) attributes {dimension_semantics = [#tpu.dimension_semantics<core_parallel>, #tpu.dimension_semantics<subcore_parallel>], iteration_bounds = array<i64: 2, 16>, scalar_prefetch = 0 : i64, scratch_operands = 8 : i64, tpu.core_type = #tpu.core_type<sc_vector_subcore>, window_params = [{transform_indices = #map}, {transform_indices = #map}, {transform_indices = #map}, {transform_indices = #map}, {transform_indices = #map1}]} {
    %mul3A = arith.constant 632 : i32
    %mul3A_0 = arith.muli %arg1, %mul3A : i32
    %mul3A_1 = arith.constant 632 : i32
    %mul3A_2 = arith.muli %arg1, %mul3A_1 : i32
    "tpu.region"() ({
      %run_scoped3A = tpu.sem_alloc : memref<!tpu.dma_semaphore, #tpu.memory_space<semaphore_mem>>
      %dma_start3A_49 = arith.constant 0 : i32
      %dma_start3A_50 = tpu.memref_slice %arg12[%mul3A_2, %dma_start3A_49] : memref<10112x16xf32, #tpu.memory_space<vmem_shared>> -> memref<632x16xf32, #tpu.memory_space<vmem_shared>>
      %dma_start3A_51 = arith.constant 0 : i32
      %dma_start3A_52 = tpu.memref_slice %arg5[%mul3A_0, %dma_start3A_51] : memref<10112x16xf32, #tpu.memory_space<hbm>> -> memref<632x16xf32, #tpu.memory_space<hbm>>
      tpu.enqueue_dma source(%dma_start3A_52 : memref<632x16xf32, #tpu.memory_space<hbm>>) target(%dma_start3A_50 : memref<632x16xf32, #tpu.memory_space<vmem_shared>>) target_semaphore(%run_scoped3A : memref<!tpu.dma_semaphore, #tpu.memory_space<semaphore_mem>>)
      %dma_wait3A_53 = arith.constant 0 : i32
      %dma_wait3A_54 = tpu.memref_slice %arg12[%mul3A_2, %dma_wait3A_53] : memref<10112x16xf32, #tpu.memory_space<vmem_shared>> -> memref<632x16xf32, #tpu.memory_space<vmem_shared>>
      %dma_wait3A_55 = arith.constant 0 : i32
      %dma_wait3A_56 = tpu.memref_slice %arg5[%mul3A_0, %dma_wait3A_55] : memref<10112x16xf32, #tpu.memory_space<hbm>> -> memref<632x16xf32, #tpu.memory_space<hbm>>
      tpu.wait_dma2 semaphore(%run_scoped3A : memref<!tpu.dma_semaphore, #tpu.memory_space<semaphore_mem>>) src(%dma_wait3A_56 : memref<632x16xf32, #tpu.memory_space<hbm>>) dst(%dma_wait3A_54 : memref<632x16xf32, #tpu.memory_space<vmem_shared>>)
      tpu.yield
    }) : () -> ()
    %mul3A_3 = arith.constant 16 : i32
    %mul3A_4 = arith.muli %arg0, %mul3A_3 : i32
    %add3A = arith.addi %mul3A_4, %arg1 : i32
    %mul3A_5 = arith.constant 80 : i32
    %mul3A_6 = arith.muli %add3A, %mul3A_5 : i32
    "tpu.region"() ({
      %run_scoped3A = tpu.sem_alloc : memref<!tpu.dma_semaphore, #tpu.memory_space<semaphore_mem>>
      %dma_start3A_49 = arith.constant 0 : i32
      %dma_start3A_50 = arith.constant 0 : i32
      %dma_start3A_51 = tpu.memref_slice %arg7[%dma_start3A_49, %dma_start3A_50] : memref<82x128xi32, #tpu.memory_space<vmem>> -> memref<80x128xi32, #tpu.memory_space<vmem>>
      %dma_start3A_52 = arith.constant 0 : i32
      %dma_start3A_53 = tpu.memref_slice %arg3[%mul3A_6, %dma_start3A_52] : memref<2560x128xi32, #tpu.memory_space<hbm>> -> memref<80x128xi32, #tpu.memory_space<hbm>>
      %dma_start3A_54 = arith.constant 0 : i32
      %dma_start3A_55 = arith.constant 0 : i32
      %dma_start3A_56 = tpu.memref_slice %arg7[%dma_start3A_54, %dma_start3A_55] : memref<82x128xi32, #tpu.memory_space<vmem>> -> memref<80x128xi32, #tpu.memory_space<vmem>>
      %dma_start3A_57 = arith.constant 0 : i32
      %dma_start3A_58 = tpu.memref_slice %arg3[%mul3A_6, %dma_start3A_57] : memref<2560x128xi32, #tpu.memory_space<hbm>> -> memref<80x128xi32, #tpu.memory_space<hbm>>
      tpu.enqueue_dma source(%dma_start3A_58 : memref<80x128xi32, #tpu.memory_space<hbm>>) target(%dma_start3A_56 : memref<80x128xi32, #tpu.memory_space<vmem>>) target_semaphore(%run_scoped3A : memref<!tpu.dma_semaphore, #tpu.memory_space<semaphore_mem>>)
      %dma_wait3A_59 = arith.constant 0 : i32
      %dma_wait3A_60 = arith.constant 0 : i32
      %dma_wait3A_61 = tpu.memref_slice %arg7[%dma_wait3A_59, %dma_wait3A_60] : memref<82x128xi32, #tpu.memory_space<vmem>> -> memref<80x128xi32, #tpu.memory_space<vmem>>
      %dma_wait3A_62 = arith.constant 0 : i32
      %dma_wait3A_63 = tpu.memref_slice %arg3[%mul3A_6, %dma_wait3A_62] : memref<2560x128xi32, #tpu.memory_space<hbm>> -> memref<80x128xi32, #tpu.memory_space<hbm>>
      %dma_wait3A_64 = arith.constant 0 : i32
      %dma_wait3A_65 = arith.constant 0 : i32
      %dma_wait3A_66 = tpu.memref_slice %arg7[%dma_wait3A_64, %dma_wait3A_65] : memref<82x128xi32, #tpu.memory_space<vmem>> -> memref<80x128xi32, #tpu.memory_space<vmem>>
      %dma_wait3A_67 = arith.constant 0 : i32
      %dma_wait3A_68 = tpu.memref_slice %arg3[%mul3A_6, %dma_wait3A_67] : memref<2560x128xi32, #tpu.memory_space<hbm>> -> memref<80x128xi32, #tpu.memory_space<hbm>>
      tpu.wait_dma2 semaphore(%run_scoped3A : memref<!tpu.dma_semaphore, #tpu.memory_space<semaphore_mem>>) src(%dma_wait3A_68 : memref<80x128xi32, #tpu.memory_space<hbm>>) dst(%dma_wait3A_66 : memref<80x128xi32, #tpu.memory_space<vmem>>)
      tpu.yield
    }) : () -> ()
    "tpu.region"() ({
      %run_scoped3A = tpu.sem_alloc : memref<!tpu.dma_semaphore, #tpu.memory_space<semaphore_mem>>
      %dma_start3A_49 = arith.constant 0 : i32
      %dma_start3A_50 = arith.constant 0 : i32
      %dma_start3A_51 = tpu.memref_slice %arg8[%dma_start3A_49, %dma_start3A_50] : memref<80x128xi32, #tpu.memory_space<vmem>> -> memref<80x128xi32, #tpu.memory_space<vmem>>
      %dma_start3A_52 = arith.constant 0 : i32
      %dma_start3A_53 = tpu.memref_slice %arg4[%mul3A_6, %dma_start3A_52] : memref<2560x128xi32, #tpu.memory_space<hbm>> -> memref<80x128xi32, #tpu.memory_space<hbm>>
      %dma_start3A_54 = arith.constant 0 : i32
      %dma_start3A_55 = arith.constant 0 : i32
      %dma_start3A_56 = tpu.memref_slice %arg8[%dma_start3A_54, %dma_start3A_55] : memref<80x128xi32, #tpu.memory_space<vmem>> -> memref<80x128xi32, #tpu.memory_space<vmem>>
      %dma_start3A_57 = arith.constant 0 : i32
      %dma_start3A_58 = tpu.memref_slice %arg4[%mul3A_6, %dma_start3A_57] : memref<2560x128xi32, #tpu.memory_space<hbm>> -> memref<80x128xi32, #tpu.memory_space<hbm>>
      tpu.enqueue_dma source(%dma_start3A_58 : memref<80x128xi32, #tpu.memory_space<hbm>>) target(%dma_start3A_56 : memref<80x128xi32, #tpu.memory_space<vmem>>) target_semaphore(%run_scoped3A : memref<!tpu.dma_semaphore, #tpu.memory_space<semaphore_mem>>)
      %dma_wait3A_59 = arith.constant 0 : i32
      %dma_wait3A_60 = arith.constant 0 : i32
      %dma_wait3A_61 = tpu.memref_slice %arg8[%dma_wait3A_59, %dma_wait3A_60] : memref<80x128xi32, #tpu.memory_space<vmem>> -> memref<80x128xi32, #tpu.memory_space<vmem>>
      %dma_wait3A_62 = arith.constant 0 : i32
      %dma_wait3A_63 = tpu.memref_slice %arg4[%mul3A_6, %dma_wait3A_62] : memref<2560x128xi32, #tpu.memory_space<hbm>> -> memref<80x128xi32, #tpu.memory_space<hbm>>
      %dma_wait3A_64 = arith.constant 0 : i32
      %dma_wait3A_65 = arith.constant 0 : i32
      %dma_wait3A_66 = tpu.memref_slice %arg8[%dma_wait3A_64, %dma_wait3A_65] : memref<80x128xi32, #tpu.memory_space<vmem>> -> memref<80x128xi32, #tpu.memory_space<vmem>>
      %dma_wait3A_67 = arith.constant 0 : i32
      %dma_wait3A_68 = tpu.memref_slice %arg4[%mul3A_6, %dma_wait3A_67] : memref<2560x128xi32, #tpu.memory_space<hbm>> -> memref<80x128xi32, #tpu.memory_space<hbm>>
      tpu.wait_dma2 semaphore(%run_scoped3A : memref<!tpu.dma_semaphore, #tpu.memory_space<semaphore_mem>>) src(%dma_wait3A_68 : memref<80x128xi32, #tpu.memory_space<hbm>>) dst(%dma_wait3A_66 : memref<80x128xi32, #tpu.memory_space<vmem>>)
      tpu.yield
    }) : () -> ()
    "tpu.region"() ({
      %run_scoped3A = tpu.sem_alloc : memref<!tpu.dma_semaphore, #tpu.memory_space<semaphore_mem>>
      %dma_start3A_49 = arith.constant 80 : i32
      %dma_start3A_50 = arith.constant 0 : i32
      %dma_start3A_51 = tpu.memref_slice %arg7[%dma_start3A_49, %dma_start3A_50] : memref<82x128xi32, #tpu.memory_space<vmem>> -> memref<2x128xi32, #tpu.memory_space<vmem>>
      %dma_start3A_52 = arith.constant 0 : i32
      %dma_start3A_53 = tpu.memref_slice %arg3[%mul3A_6, %dma_start3A_52] : memref<2560x128xi32, #tpu.memory_space<hbm>> -> memref<2x128xi32, #tpu.memory_space<hbm>>
      %dma_start3A_54 = arith.constant 80 : i32
      %dma_start3A_55 = arith.constant 0 : i32
      %dma_start3A_56 = tpu.memref_slice %arg7[%dma_start3A_54, %dma_start3A_55] : memref<82x128xi32, #tpu.memory_space<vmem>> -> memref<2x128xi32, #tpu.memory_space<vmem>>
      %dma_start3A_57 = arith.constant 0 : i32
      %dma_start3A_58 = tpu.memref_slice %arg3[%mul3A_6, %dma_start3A_57] : memref<2560x128xi32, #tpu.memory_space<hbm>> -> memref<2x128xi32, #tpu.memory_space<hbm>>
      tpu.enqueue_dma source(%dma_start3A_58 : memref<2x128xi32, #tpu.memory_space<hbm>>) target(%dma_start3A_56 : memref<2x128xi32, #tpu.memory_space<vmem>>) target_semaphore(%run_scoped3A : memref<!tpu.dma_semaphore, #tpu.memory_space<semaphore_mem>>)
      %dma_wait3A_59 = arith.constant 80 : i32
      %dma_wait3A_60 = arith.constant 0 : i32
      %dma_wait3A_61 = tpu.memref_slice %arg7[%dma_wait3A_59, %dma_wait3A_60] : memref<82x128xi32, #tpu.memory_space<vmem>> -> memref<2x128xi32, #tpu.memory_space<vmem>>
      %dma_wait3A_62 = arith.constant 0 : i32
      %dma_wait3A_63 = tpu.memref_slice %arg3[%mul3A_6, %dma_wait3A_62] : memref<2560x128xi32, #tpu.memory_space<hbm>> -> memref<2x128xi32, #tpu.memory_space<hbm>>
      %dma_wait3A_64 = arith.constant 80 : i32
      %dma_wait3A_65 = arith.constant 0 : i32
      %dma_wait3A_66 = tpu.memref_slice %arg7[%dma_wait3A_64, %dma_wait3A_65] : memref<82x128xi32, #tpu.memory_space<vmem>> -> memref<2x128xi32, #tpu.memory_space<vmem>>
      %dma_wait3A_67 = arith.constant 0 : i32
      %dma_wait3A_68 = tpu.memref_slice %arg3[%mul3A_6, %dma_wait3A_67] : memref<2560x128xi32, #tpu.memory_space<hbm>> -> memref<2x128xi32, #tpu.memory_space<hbm>>
      tpu.wait_dma2 semaphore(%run_scoped3A : memref<!tpu.dma_semaphore, #tpu.memory_space<semaphore_mem>>) src(%dma_wait3A_68 : memref<2x128xi32, #tpu.memory_space<hbm>>) dst(%dma_wait3A_66 : memref<2x128xi32, #tpu.memory_space<vmem>>)
      tpu.yield
    }) : () -> ()
    %lt3A = arith.constant 15 : i32
    %lt3A_7 = arith.cmpi slt, %arg1, %lt3A : i32
    %convert_element_type3A = arith.extui %lt3A_7 : i1 to i32
    %cond3A = arith.constant 0 : i32
    %cond3A_8 = arith.cmpi ne, %convert_element_type3A, %cond3A : i32
    scf.if %cond3A_8 {
      %mul3A_49 = arith.constant 632 : i32
      %mul3A_50 = arith.muli %arg1, %mul3A_49 : i32
      %mul3A_51 = arith.constant 632 : i32
      %mul3A_52 = arith.muli %arg1, %mul3A_51 : i32
      "tpu.region"() ({
        %run_scoped3A = tpu.sem_alloc : memref<!tpu.dma_semaphore, #tpu.memory_space<semaphore_mem>>
        %dma_start3A_53 = arith.constant 0 : i32
        %dma_start3A_54 = tpu.memref_slice %arg11[%mul3A_52, %dma_start3A_53] : memref<10112x16xf32, #tpu.memory_space<vmem_shared>> -> memref<632x16xf32, #tpu.memory_space<vmem_shared>>
        %dma_start3A_55 = arith.constant 0 : i32
        %dma_start3A_56 = tpu.memref_slice %arg2[%mul3A_50, %dma_start3A_55] : memref<10000x16xf32, #tpu.memory_space<hbm>> -> memref<632x16xf32, #tpu.memory_space<hbm>>
        tpu.enqueue_dma source(%dma_start3A_56 : memref<632x16xf32, #tpu.memory_space<hbm>>) target(%dma_start3A_54 : memref<632x16xf32, #tpu.memory_space<vmem_shared>>) target_semaphore(%run_scoped3A : memref<!tpu.dma_semaphore, #tpu.memory_space<semaphore_mem>>)
        %dma_wait3A_57 = arith.constant 0 : i32
        %dma_wait3A_58 = tpu.memref_slice %arg11[%mul3A_52, %dma_wait3A_57] : memref<10112x16xf32, #tpu.memory_space<vmem_shared>> -> memref<632x16xf32, #tpu.memory_space<vmem_shared>>
        %dma_wait3A_59 = arith.constant 0 : i32
        %dma_wait3A_60 = tpu.memref_slice %arg2[%mul3A_50, %dma_wait3A_59] : memref<10000x16xf32, #tpu.memory_space<hbm>> -> memref<632x16xf32, #tpu.memory_space<hbm>>
        tpu.wait_dma2 semaphore(%run_scoped3A : memref<!tpu.dma_semaphore, #tpu.memory_space<semaphore_mem>>) src(%dma_wait3A_60 : memref<632x16xf32, #tpu.memory_space<hbm>>) dst(%dma_wait3A_58 : memref<632x16xf32, #tpu.memory_space<vmem_shared>>)
        tpu.yield
      }) : () -> ()
    } else {
    }
    %eq3A = arith.constant 15 : i32
    %eq3A_9 = arith.cmpi eq, %arg1, %eq3A : i32
    %convert_element_type3A_10 = arith.extui %eq3A_9 : i1 to i32
    %cond3A_11 = arith.constant 0 : i32
    %cond3A_12 = arith.cmpi ne, %convert_element_type3A_10, %cond3A_11 : i32
    scf.if %cond3A_12 {
      "tpu.region"() ({
        %run_scoped3A = tpu.sem_alloc : memref<!tpu.dma_semaphore, #tpu.memory_space<semaphore_mem>>
        %dma_start3A_49 = arith.constant 9480 : i32
        %dma_start3A_50 = arith.constant 0 : i32
        %dma_start3A_51 = tpu.memref_slice %arg11[%dma_start3A_49, %dma_start3A_50] : memref<10112x16xf32, #tpu.memory_space<vmem_shared>> -> memref<520x16xf32, #tpu.memory_space<vmem_shared>>
        %dma_start3A_52 = arith.constant 9480 : i32
        %dma_start3A_53 = arith.constant 0 : i32
        %dma_start3A_54 = tpu.memref_slice %arg2[%dma_start3A_52, %dma_start3A_53] : memref<10000x16xf32, #tpu.memory_space<hbm>> -> memref<520x16xf32, #tpu.memory_space<hbm>>
        tpu.enqueue_dma source(%dma_start3A_54 : memref<520x16xf32, #tpu.memory_space<hbm>>) target(%dma_start3A_51 : memref<520x16xf32, #tpu.memory_space<vmem_shared>>) target_semaphore(%run_scoped3A : memref<!tpu.dma_semaphore, #tpu.memory_space<semaphore_mem>>)
        %dma_wait3A_55 = arith.constant 9480 : i32
        %dma_wait3A_56 = arith.constant 0 : i32
        %dma_wait3A_57 = tpu.memref_slice %arg11[%dma_wait3A_55, %dma_wait3A_56] : memref<10112x16xf32, #tpu.memory_space<vmem_shared>> -> memref<520x16xf32, #tpu.memory_space<vmem_shared>>
        %dma_wait3A_58 = arith.constant 9480 : i32
        %dma_wait3A_59 = arith.constant 0 : i32
        %dma_wait3A_60 = tpu.memref_slice %arg2[%dma_wait3A_58, %dma_wait3A_59] : memref<10000x16xf32, #tpu.memory_space<hbm>> -> memref<520x16xf32, #tpu.memory_space<hbm>>
        tpu.wait_dma2 semaphore(%run_scoped3A : memref<!tpu.dma_semaphore, #tpu.memory_space<semaphore_mem>>) src(%dma_wait3A_60 : memref<520x16xf32, #tpu.memory_space<hbm>>) dst(%dma_wait3A_57 : memref<520x16xf32, #tpu.memory_space<vmem_shared>>)
        tpu.yield
      }) : () -> ()
    } else {
    }
    %barrier3A = arith.constant 0 : index
    tpu.barrier barrier_id(%barrier3A)
    %dma_start3A = arith.constant 0 : i32
    %dma_start3A_13 = arith.constant 0 : i32
    %dma_start3A_14 = tpu.memref_slice %arg7[%dma_start3A, %dma_start3A_13] : memref<82x128xi32, #tpu.memory_space<vmem>> -> memref<1x128xi32, #tpu.memory_space<vmem>>
    %dma_start3A_15 = tpu.memref_squeeze %dma_start3A_14 : memref<1x128xi32, #tpu.memory_space<vmem>> -> memref<128xi32, #tpu.memory_space<vmem>>
    %dma_start3A_16 = arith.constant 0 : i32
    %dma_start3A_17 = arith.constant 0 : i32
    %dma_start3A_18 = tpu.memref_slice %arg11[%dma_start3A_16, %dma_start3A_17] : memref<10112x16xf32, #tpu.memory_space<vmem_shared>> -> memref<10112x16xf32, #tpu.memory_space<vmem_shared>>
    tpu.enqueue_indirect_dma source(%dma_start3A_18 : memref<10112x16xf32, #tpu.memory_space<vmem_shared>>) target(%arg9 : memref<128x16xf32, #tpu.memory_space<vmem>>) offsets(%dma_start3A_15 : memref<128xi32, #tpu.memory_space<vmem>>) semaphore(%arg13 : memref<!tpu.dma_semaphore, #tpu.memory_space<semaphore_mem>>)
    %dma_start3A_19 = arith.constant 1 : i32
    %dma_start3A_20 = arith.constant 0 : i32
    %dma_start3A_21 = tpu.memref_slice %arg7[%dma_start3A_19, %dma_start3A_20] : memref<82x128xi32, #tpu.memory_space<vmem>> -> memref<1x128xi32, #tpu.memory_space<vmem>>
    %dma_start3A_22 = tpu.memref_squeeze %dma_start3A_21 : memref<1x128xi32, #tpu.memory_space<vmem>> -> memref<128xi32, #tpu.memory_space<vmem>>
    %dma_start3A_23 = arith.constant 0 : i32
    %dma_start3A_24 = arith.constant 0 : i32
    %dma_start3A_25 = tpu.memref_slice %arg11[%dma_start3A_23, %dma_start3A_24] : memref<10112x16xf32, #tpu.memory_space<vmem_shared>> -> memref<10112x16xf32, #tpu.memory_space<vmem_shared>>
    tpu.enqueue_indirect_dma source(%dma_start3A_25 : memref<10112x16xf32, #tpu.memory_space<vmem_shared>>) target(%arg10 : memref<128x16xf32, #tpu.memory_space<vmem>>) offsets(%dma_start3A_22 : memref<128xi32, #tpu.memory_space<vmem>>) semaphore(%arg14 : memref<!tpu.dma_semaphore, #tpu.memory_space<semaphore_mem>>)
    %scan3A = arith.constant 0 : i32
    %scan3A_26 = arith.constant 0 : i32
    %scan3A_27 = arith.constant 40 : i32
    %scan3A_28 = arith.addi %scan3A_26, %scan3A_27 : i32
    %scan3A_29 = arith.constant 1 : i32
    scf.for %scan3A_49 = %scan3A_26 to %scan3A_28 step %scan3A_29  : i32 {
      %mul3A_50 = arith.constant 2 : i32
      %mul3A_51 = arith.muli %mul3A_50, %scan3A_49 : i32
      %dma_wait3A_52 = arith.constant 0 : i32
      %dma_wait3A_53 = arith.constant 0 : i32
      %dma_wait3A_54 = tpu.memref_slice %arg7[%dma_wait3A_52, %dma_wait3A_53] : memref<82x128xi32, #tpu.memory_space<vmem>> -> memref<1x128xi32, #tpu.memory_space<vmem>>
      %dma_wait3A_55 = tpu.memref_squeeze %dma_wait3A_54 : memref<1x128xi32, #tpu.memory_space<vmem>> -> memref<128xi32, #tpu.memory_space<vmem>>
      %dma_wait3A_56 = arith.constant 0 : i32
      %dma_wait3A_57 = arith.constant 0 : i32
      %dma_wait3A_58 = tpu.memref_slice %arg11[%dma_wait3A_56, %dma_wait3A_57] : memref<10112x16xf32, #tpu.memory_space<vmem_shared>> -> memref<10112x16xf32, #tpu.memory_space<vmem_shared>>
      tpu.wait_indirect_dma semaphore(%arg13 : memref<!tpu.dma_semaphore, #tpu.memory_space<semaphore_mem>>) src(%dma_wait3A_58 : memref<10112x16xf32, #tpu.memory_space<vmem_shared>>) dst(%arg9 : memref<128x16xf32, #tpu.memory_space<vmem>>)
      %add3A_59 = arith.constant 0 : i32
      %add3A_60 = arith.addi %mul3A_51, %add3A_59 : i32
      "tpu.region"() ({
        %run_scoped3A = tpu.sem_alloc : memref<!tpu.dma_semaphore, #tpu.memory_space<semaphore_mem>>
        %dma_start3A_90 = arith.constant 0 : i32
        %dma_start3A_91 = tpu.memref_slice %arg8[%add3A_60, %dma_start3A_90] : memref<80x128xi32, #tpu.memory_space<vmem>> -> memref<1x128xi32, #tpu.memory_space<vmem>>
        %dma_start3A_92 = tpu.memref_squeeze %dma_start3A_91 : memref<1x128xi32, #tpu.memory_space<vmem>> -> memref<128xi32, #tpu.memory_space<vmem>>
        %dma_start3A_93 = arith.constant 0 : i32
        %dma_start3A_94 = arith.constant 0 : i32
        %dma_start3A_95 = tpu.memref_slice %arg12[%dma_start3A_93, %dma_start3A_94] : memref<10112x16xf32, #tpu.memory_space<vmem_shared>> -> memref<10112x16xf32, #tpu.memory_space<vmem_shared>>
        tpu.enqueue_indirect_dma source(%arg9 : memref<128x16xf32, #tpu.memory_space<vmem>>) target(%dma_start3A_95 : memref<10112x16xf32, #tpu.memory_space<vmem_shared>>) offsets(%dma_start3A_92 : memref<128xi32, #tpu.memory_space<vmem>>) semaphore(%run_scoped3A : memref<!tpu.dma_semaphore, #tpu.memory_space<semaphore_mem>>) {add = true}
        %dma_wait3A_96 = arith.constant 0 : i32
        %dma_wait3A_97 = tpu.memref_slice %arg8[%add3A_60, %dma_wait3A_96] : memref<80x128xi32, #tpu.memory_space<vmem>> -> memref<1x128xi32, #tpu.memory_space<vmem>>
        %dma_wait3A_98 = tpu.memref_squeeze %dma_wait3A_97 : memref<1x128xi32, #tpu.memory_space<vmem>> -> memref<128xi32, #tpu.memory_space<vmem>>
        %dma_wait3A_99 = arith.constant 0 : i32
        %dma_wait3A_100 = arith.constant 0 : i32
        %dma_wait3A_101 = tpu.memref_slice %arg12[%dma_wait3A_99, %dma_wait3A_100] : memref<10112x16xf32, #tpu.memory_space<vmem_shared>> -> memref<10112x16xf32, #tpu.memory_space<vmem_shared>>
        tpu.wait_indirect_dma semaphore(%run_scoped3A : memref<!tpu.dma_semaphore, #tpu.memory_space<semaphore_mem>>) src(%arg9 : memref<128x16xf32, #tpu.memory_space<vmem>>) dst(%dma_wait3A_101 : memref<10112x16xf32, #tpu.memory_space<vmem_shared>>)
        tpu.yield
      }) : () -> ()
      %add3A_61 = arith.constant 2 : i32
      %add3A_62 = arith.addi %mul3A_51, %add3A_61 : i32
      %add3A_63 = arith.constant 0 : i32
      %add3A_64 = arith.addi %add3A_62, %add3A_63 : i32
      %dma_start3A_65 = arith.constant 0 : i32
      %dma_start3A_66 = tpu.memref_slice %arg7[%add3A_64, %dma_start3A_65] : memref<82x128xi32, #tpu.memory_space<vmem>> -> memref<1x128xi32, #tpu.memory_space<vmem>>
      %dma_start3A_67 = tpu.memref_squeeze %dma_start3A_66 : memref<1x128xi32, #tpu.memory_space<vmem>> -> memref<128xi32, #tpu.memory_space<vmem>>
      %dma_start3A_68 = arith.constant 0 : i32
      %dma_start3A_69 = arith.constant 0 : i32
      %dma_start3A_70 = tpu.memref_slice %arg11[%dma_start3A_68, %dma_start3A_69] : memref<10112x16xf32, #tpu.memory_space<vmem_shared>> -> memref<10112x16xf32, #tpu.memory_space<vmem_shared>>
      tpu.enqueue_indirect_dma source(%dma_start3A_70 : memref<10112x16xf32, #tpu.memory_space<vmem_shared>>) target(%arg9 : memref<128x16xf32, #tpu.memory_space<vmem>>) offsets(%dma_start3A_67 : memref<128xi32, #tpu.memory_space<vmem>>) semaphore(%arg13 : memref<!tpu.dma_semaphore, #tpu.memory_space<semaphore_mem>>)
      %dma_wait3A_71 = arith.constant 0 : i32
      %dma_wait3A_72 = arith.constant 0 : i32
      %dma_wait3A_73 = tpu.memref_slice %arg7[%dma_wait3A_71, %dma_wait3A_72] : memref<82x128xi32, #tpu.memory_space<vmem>> -> memref<1x128xi32, #tpu.memory_space<vmem>>
      %dma_wait3A_74 = tpu.memref_squeeze %dma_wait3A_73 : memref<1x128xi32, #tpu.memory_space<vmem>> -> memref<128xi32, #tpu.memory_space<vmem>>
      %dma_wait3A_75 = arith.constant 0 : i32
      %dma_wait3A_76 = arith.constant 0 : i32
      %dma_wait3A_77 = tpu.memref_slice %arg11[%dma_wait3A_75, %dma_wait3A_76] : memref<10112x16xf32, #tpu.memory_space<vmem_shared>> -> memref<10112x16xf32, #tpu.memory_space<vmem_shared>>
      tpu.wait_indirect_dma semaphore(%arg14 : memref<!tpu.dma_semaphore, #tpu.memory_space<semaphore_mem>>) src(%dma_wait3A_77 : memref<10112x16xf32, #tpu.memory_space<vmem_shared>>) dst(%arg10 : memref<128x16xf32, #tpu.memory_space<vmem>>)
      %add3A_78 = arith.constant 1 : i32
      %add3A_79 = arith.addi %mul3A_51, %add3A_78 : i32
      "tpu.region"() ({
        %run_scoped3A = tpu.sem_alloc : memref<!tpu.dma_semaphore, #tpu.memory_space<semaphore_mem>>
        %dma_start3A_90 = arith.constant 0 : i32
        %dma_start3A_91 = tpu.memref_slice %arg8[%add3A_79, %dma_start3A_90] : memref<80x128xi32, #tpu.memory_space<vmem>> -> memref<1x128xi32, #tpu.memory_space<vmem>>
        %dma_start3A_92 = tpu.memref_squeeze %dma_start3A_91 : memref<1x128xi32, #tpu.memory_space<vmem>> -> memref<128xi32, #tpu.memory_space<vmem>>
        %dma_start3A_93 = arith.constant 0 : i32
        %dma_start3A_94 = arith.constant 0 : i32
        %dma_start3A_95 = tpu.memref_slice %arg12[%dma_start3A_93, %dma_start3A_94] : memref<10112x16xf32, #tpu.memory_space<vmem_shared>> -> memref<10112x16xf32, #tpu.memory_space<vmem_shared>>
        tpu.enqueue_indirect_dma source(%arg10 : memref<128x16xf32, #tpu.memory_space<vmem>>) target(%dma_start3A_95 : memref<10112x16xf32, #tpu.memory_space<vmem_shared>>) offsets(%dma_start3A_92 : memref<128xi32, #tpu.memory_space<vmem>>) semaphore(%run_scoped3A : memref<!tpu.dma_semaphore, #tpu.memory_space<semaphore_mem>>) {add = true}
        %dma_wait3A_96 = arith.constant 0 : i32
        %dma_wait3A_97 = tpu.memref_slice %arg8[%add3A_79, %dma_wait3A_96] : memref<80x128xi32, #tpu.memory_space<vmem>> -> memref<1x128xi32, #tpu.memory_space<vmem>>
        %dma_wait3A_98 = tpu.memref_squeeze %dma_wait3A_97 : memref<1x128xi32, #tpu.memory_space<vmem>> -> memref<128xi32, #tpu.memory_space<vmem>>
        %dma_wait3A_99 = arith.constant 0 : i32
        %dma_wait3A_100 = arith.constant 0 : i32
        %dma_wait3A_101 = tpu.memref_slice %arg12[%dma_wait3A_99, %dma_wait3A_100] : memref<10112x16xf32, #tpu.memory_space<vmem_shared>> -> memref<10112x16xf32, #tpu.memory_space<vmem_shared>>
        tpu.wait_indirect_dma semaphore(%run_scoped3A : memref<!tpu.dma_semaphore, #tpu.memory_space<semaphore_mem>>) src(%arg10 : memref<128x16xf32, #tpu.memory_space<vmem>>) dst(%dma_wait3A_101 : memref<10112x16xf32, #tpu.memory_space<vmem_shared>>)
        tpu.yield
      }) : () -> ()
      %add3A_80 = arith.constant 2 : i32
      %add3A_81 = arith.addi %mul3A_51, %add3A_80 : i32
      %add3A_82 = arith.constant 1 : i32
      %add3A_83 = arith.addi %add3A_81, %add3A_82 : i32
      %dma_start3A_84 = arith.constant 0 : i32
      %dma_start3A_85 = tpu.memref_slice %arg7[%add3A_83, %dma_start3A_84] : memref<82x128xi32, #tpu.memory_space<vmem>> -> memref<1x128xi32, #tpu.memory_space<vmem>>
      %dma_start3A_86 = tpu.memref_squeeze %dma_start3A_85 : memref<1x128xi32, #tpu.memory_space<vmem>> -> memref<128xi32, #tpu.memory_space<vmem>>
      %dma_start3A_87 = arith.constant 0 : i32
      %dma_start3A_88 = arith.constant 0 : i32
      %dma_start3A_89 = tpu.memref_slice %arg11[%dma_start3A_87, %dma_start3A_88] : memref<10112x16xf32, #tpu.memory_space<vmem_shared>> -> memref<10112x16xf32, #tpu.memory_space<vmem_shared>>
      tpu.enqueue_indirect_dma source(%dma_start3A_89 : memref<10112x16xf32, #tpu.memory_space<vmem_shared>>) target(%arg10 : memref<128x16xf32, #tpu.memory_space<vmem>>) offsets(%dma_start3A_86 : memref<128xi32, #tpu.memory_space<vmem>>) semaphore(%arg14 : memref<!tpu.dma_semaphore, #tpu.memory_space<semaphore_mem>>)
    }
    %scan3A_30 = arith.constant 40 : i32
    %dma_wait3A = arith.constant 0 : i32
    %dma_wait3A_31 = arith.constant 0 : i32
    %dma_wait3A_32 = tpu.memref_slice %arg7[%dma_wait3A, %dma_wait3A_31] : memref<82x128xi32, #tpu.memory_space<vmem>> -> memref<1x128xi32, #tpu.memory_space<vmem>>
    %dma_wait3A_33 = tpu.memref_squeeze %dma_wait3A_32 : memref<1x128xi32, #tpu.memory_space<vmem>> -> memref<128xi32, #tpu.memory_space<vmem>>
    %dma_wait3A_34 = arith.constant 0 : i32
    %dma_wait3A_35 = arith.constant 0 : i32
    %dma_wait3A_36 = tpu.memref_slice %arg11[%dma_wait3A_34, %dma_wait3A_35] : memref<10112x16xf32, #tpu.memory_space<vmem_shared>> -> memref<10112x16xf32, #tpu.memory_space<vmem_shared>>
    tpu.wait_indirect_dma semaphore(%arg13 : memref<!tpu.dma_semaphore, #tpu.memory_space<semaphore_mem>>) src(%dma_wait3A_36 : memref<10112x16xf32, #tpu.memory_space<vmem_shared>>) dst(%arg9 : memref<128x16xf32, #tpu.memory_space<vmem>>)
    %dma_wait3A_37 = arith.constant 0 : i32
    %dma_wait3A_38 = arith.constant 0 : i32
    %dma_wait3A_39 = tpu.memref_slice %arg7[%dma_wait3A_37, %dma_wait3A_38] : memref<82x128xi32, #tpu.memory_space<vmem>> -> memref<1x128xi32, #tpu.memory_space<vmem>>
    %dma_wait3A_40 = tpu.memref_squeeze %dma_wait3A_39 : memref<1x128xi32, #tpu.memory_space<vmem>> -> memref<128xi32, #tpu.memory_space<vmem>>
    %dma_wait3A_41 = arith.constant 0 : i32
    %dma_wait3A_42 = arith.constant 0 : i32
    %dma_wait3A_43 = tpu.memref_slice %arg11[%dma_wait3A_41, %dma_wait3A_42] : memref<10112x16xf32, #tpu.memory_space<vmem_shared>> -> memref<10112x16xf32, #tpu.memory_space<vmem_shared>>
    tpu.wait_indirect_dma semaphore(%arg14 : memref<!tpu.dma_semaphore, #tpu.memory_space<semaphore_mem>>) src(%dma_wait3A_43 : memref<10112x16xf32, #tpu.memory_space<vmem_shared>>) dst(%arg10 : memref<128x16xf32, #tpu.memory_space<vmem>>)
    %barrier3A_44 = arith.constant 0 : index
    tpu.barrier barrier_id(%barrier3A_44)
    %mul3A_45 = arith.constant 632 : i32
    %mul3A_46 = arith.muli %arg1, %mul3A_45 : i32
    %mul3A_47 = arith.constant 632 : i32
    %mul3A_48 = arith.muli %arg1, %mul3A_47 : i32
    "tpu.region"() ({
      %run_scoped3A = tpu.sem_alloc : memref<!tpu.dma_semaphore, #tpu.memory_space<semaphore_mem>>
      %dma_start3A_49 = arith.constant 0 : i32
      %dma_start3A_50 = tpu.memref_slice %arg6[%arg0, %mul3A_48, %dma_start3A_49] : memref<2x10112x16xf32, #tpu.memory_space<hbm>> -> memref<1x632x16xf32, #tpu.memory_space<hbm>>
      %dma_start3A_51 = tpu.memref_squeeze %dma_start3A_50 : memref<1x632x16xf32, #tpu.memory_space<hbm>> -> memref<632x16xf32, #tpu.memory_space<hbm>>
      %dma_start3A_52 = arith.constant 0 : i32
      %dma_start3A_53 = tpu.memref_slice %arg12[%mul3A_46, %dma_start3A_52] : memref<10112x16xf32, #tpu.memory_space<vmem_shared>> -> memref<632x16xf32, #tpu.memory_space<vmem_shared>>
      tpu.enqueue_dma source(%dma_start3A_53 : memref<632x16xf32, #tpu.memory_space<vmem_shared>>) target(%dma_start3A_51 : memref<632x16xf32, #tpu.memory_space<hbm>>) target_semaphore(%run_scoped3A : memref<!tpu.dma_semaphore, #tpu.memory_space<semaphore_mem>>)
      %dma_wait3A_54 = arith.constant 0 : i32
      %dma_wait3A_55 = tpu.memref_slice %arg6[%arg0, %mul3A_48, %dma_wait3A_54] : memref<2x10112x16xf32, #tpu.memory_space<hbm>> -> memref<1x632x16xf32, #tpu.memory_space<hbm>>
      %dma_wait3A_56 = tpu.memref_squeeze %dma_wait3A_55 : memref<1x632x16xf32, #tpu.memory_space<hbm>> -> memref<632x16xf32, #tpu.memory_space<hbm>>
      %dma_wait3A_57 = arith.constant 0 : i32
      %dma_wait3A_58 = tpu.memref_slice %arg12[%mul3A_46, %dma_wait3A_57] : memref<10112x16xf32, #tpu.memory_space<vmem_shared>> -> memref<632x16xf32, #tpu.memory_space<vmem_shared>>
      tpu.wait_dma2 semaphore(%run_scoped3A : memref<!tpu.dma_semaphore, #tpu.memory_space<semaphore_mem>>) src(%dma_wait3A_58 : memref<632x16xf32, #tpu.memory_space<vmem_shared>>) dst(%dma_wait3A_56 : memref<632x16xf32, #tpu.memory_space<hbm>>)
      tpu.yield
    }) : () -> ()
    return
  }
}

module attributes {stable_mosaic.version = 14 : i64} {
  func.func @_dense_in_body(%arg0: memref<10000x128xf32, #tpu.memory_space<vmem>>, %arg1: memref<128x16xf32, #tpu.memory_space<vmem>>, %arg2: memref<10000x16xf32, #tpu.memory_space<vmem>>) attributes {dimension_semantics = [], scalar_prefetch = 0 : i64, scratch_operands = 0 : i64, tpu.core_type = #tpu.core_type<tc>} {
    %get3A = arith.constant 0 : index
    %get3A_0 = arith.constant 0 : index
    %get3A_1 = vector.load %arg0[%get3A, %get3A_0] : memref<10000x128xf32, #tpu.memory_space<vmem>>, vector<10000x128xf32>
    %get3A_2 = arith.constant 0 : index
    %get3A_3 = arith.constant 0 : index
    %get3A_4 = vector.load %arg1[%get3A_2, %get3A_3] : memref<128x16xf32, #tpu.memory_space<vmem>>, vector<128x16xf32>
    %dot_general3A = arith.constant dense<0.000000e+00> : vector<10000x16xf32>
    %dot_general3A_5 = tpu.matmul %get3A_1, %get3A_4, %dot_general3A {dimension_numbers = #tpu.dot_dimension_numbers<[1], [0], [0], [1], [0, 0, 1, 1], [], []>, transpose_lhs_hint = false} : vector<10000x128xf32>, vector<128x16xf32>, vector<10000x16xf32> -> vector<10000x16xf32>
    %swap3A = arith.constant 0 : index
    %swap3A_6 = arith.constant 0 : index
    %swap3A_7 = vector.load %arg2[%swap3A, %swap3A_6] : memref<10000x16xf32, #tpu.memory_space<vmem>>, vector<10000x16xf32>
    tpu.vector_store %arg2[%swap3A, %swap3A_6], %dot_general3A_5 {strides = array<i32>} : memref<10000x16xf32, #tpu.memory_space<vmem>>, vector<10000x16xf32>,
    return
  }
}

module attributes {stable_mosaic.version = 14 : i64} {
  func.func @_mid_body(%arg0: memref<2x10112x16xf32, #tpu.memory_space<vmem>>, %arg1: memref<1x16xf32, #tpu.memory_space<vmem>>, %arg2: memref<16x16xf32, #tpu.memory_space<vmem>>, %arg3: memref<10000x16xf32, #tpu.memory_space<vmem>>) attributes {dimension_semantics = [], scalar_prefetch = 0 : i64, scratch_operands = 0 : i64, tpu.core_type = #tpu.core_type<tc>} {
    %get3A = arith.constant 0 : index
    %get3A_0 = arith.constant 0 : index
    %get3A_1 = arith.constant 0 : index
    %get3A_2 = vector.load %arg0[%get3A, %get3A_0, %get3A_1] : memref<2x10112x16xf32, #tpu.memory_space<vmem>>, vector<1x10000x16xf32>
    %get3A_3 = vector.shape_cast %get3A_2 : vector<1x10000x16xf32> to vector<10000x16xf32>
    %get3A_4 = arith.constant 1 : index
    %get3A_5 = arith.constant 0 : index
    %get3A_6 = arith.constant 0 : index
    %get3A_7 = vector.load %arg0[%get3A_4, %get3A_5, %get3A_6] : memref<2x10112x16xf32, #tpu.memory_space<vmem>>, vector<1x10000x16xf32>
    %get3A_8 = vector.shape_cast %get3A_7 : vector<1x10000x16xf32> to vector<10000x16xf32>
    %add3A = arith.addf %get3A_3, %get3A_8 : vector<10000x16xf32>
    %get3A_9 = arith.constant 0 : index
    %get3A_10 = arith.constant 0 : index
    %get3A_11 = vector.load %arg1[%get3A_9, %get3A_10] : memref<1x16xf32, #tpu.memory_space<vmem>>, vector<1x16xf32>
    %add3A_12 = vector.broadcast %get3A_11 : vector<1x16xf32> to vector<10000x16xf32>
    %add3A_13 = arith.addf %add3A, %add3A_12 : vector<10000x16xf32>
    %max3A = arith.constant 0.000000e+00 : f32
    %max3A_14 = vector.broadcast %max3A : f32 to vector<10000x16xf32>
    %max3A_15 = arith.maximumf %add3A_13, %max3A_14 : vector<10000x16xf32>
    %get3A_16 = arith.constant 0 : index
    %get3A_17 = arith.constant 0 : index
    %get3A_18 = vector.load %arg2[%get3A_16, %get3A_17] : memref<16x16xf32, #tpu.memory_space<vmem>>, vector<16x16xf32>
    %dot_general3A = arith.constant dense<0.000000e+00> : vector<10000x16xf32>
    %dot_general3A_19 = tpu.matmul %max3A_15, %get3A_18, %dot_general3A {dimension_numbers = #tpu.dot_dimension_numbers<[1], [0], [0], [1], [0, 0, 1, 1], [], []>, transpose_lhs_hint = false} : vector<10000x16xf32>, vector<16x16xf32>, vector<10000x16xf32> -> vector<10000x16xf32>
    %swap3A = arith.constant 0 : index
    %swap3A_20 = arith.constant 0 : index
    %swap3A_21 = vector.load %arg3[%swap3A, %swap3A_20] : memref<10000x16xf32, #tpu.memory_space<vmem>>, vector<10000x16xf32>
    tpu.vector_store %arg3[%swap3A, %swap3A_20], %dot_general3A_19 {strides = array<i32>} : memref<10000x16xf32, #tpu.memory_space<vmem>>, vector<10000x16xf32>,
    return
  }
}

module attributes {stable_mosaic.version = 14 : i64} {
  func.func @_out_body(%arg0: memref<2x10112x16xf32, #tpu.memory_space<vmem>>, %arg1: memref<1x7xf32, #tpu.memory_space<vmem>>, %arg2: memref<1x7xf32, #tpu.memory_space<vmem>>, %arg3: memref<10000x7xf32, #tpu.memory_space<vmem>>, %arg4: memref<10000x7xf32, #tpu.memory_space<vmem>>) attributes {dimension_semantics = [], scalar_prefetch = 0 : i64, scratch_operands = 0 : i64, tpu.core_type = #tpu.core_type<tc>} {
    %get3A = arith.constant 0 : index
    %get3A_0 = arith.constant 0 : index
    %get3A_1 = arith.constant 0 : index
    %get3A_2 = vector.load %arg0[%get3A, %get3A_0, %get3A_1] : memref<2x10112x16xf32, #tpu.memory_space<vmem>>, vector<1x10000x16xf32>
    %get3A_3 = vector.shape_cast %get3A_2 : vector<1x10000x16xf32> to vector<10000x16xf32>
    %get3A_4 = arith.constant 1 : index
    %get3A_5 = arith.constant 0 : index
    %get3A_6 = arith.constant 0 : index
    %get3A_7 = vector.load %arg0[%get3A_4, %get3A_5, %get3A_6] : memref<2x10112x16xf32, #tpu.memory_space<vmem>>, vector<1x10000x16xf32>
    %get3A_8 = vector.shape_cast %get3A_7 : vector<1x10000x16xf32> to vector<10000x16xf32>
    %add3A = arith.addf %get3A_3, %get3A_8 : vector<10000x16xf32>
    %slice3A = vector.extract_strided_slice %add3A {offsets = [0, 0], sizes = [10000, 7], strides = [1, 1]} : vector<10000x16xf32> to vector<10000x7xf32>
    %get3A_9 = arith.constant 0 : index
    %get3A_10 = arith.constant 0 : index
    %get3A_11 = vector.load %arg1[%get3A_9, %get3A_10] : memref<1x7xf32, #tpu.memory_space<vmem>>, vector<1x7xf32>
    %add3A_12 = vector.broadcast %get3A_11 : vector<1x7xf32> to vector<10000x7xf32>
    %add3A_13 = arith.addf %slice3A, %add3A_12 : vector<10000x7xf32>
    %slice3A_14 = vector.extract_strided_slice %add3A {offsets = [0, 7], sizes = [10000, 7], strides = [1, 1]} : vector<10000x16xf32> to vector<10000x7xf32>
    %get3A_15 = arith.constant 0 : index
    %get3A_16 = arith.constant 0 : index
    %get3A_17 = vector.load %arg2[%get3A_15, %get3A_16] : memref<1x7xf32, #tpu.memory_space<vmem>>, vector<1x7xf32>
    %add3A_18 = vector.broadcast %get3A_17 : vector<1x7xf32> to vector<10000x7xf32>
    %add3A_19 = arith.addf %slice3A_14, %add3A_18 : vector<10000x7xf32>
    %get3A_20 = arith.constant 0 : index
    %get3A_21 = arith.constant 0 : index
    %get3A_22 = vector.load %arg3[%get3A_20, %get3A_21] : memref<10000x7xf32, #tpu.memory_space<vmem>>, vector<10000x7xf32>
    %exp3A = math.exp %add3A_19 : vector<10000x7xf32>
    %mul3A = arith.mulf %get3A_22, %exp3A : vector<10000x7xf32>
    %add3A_23 = arith.addf %add3A_13, %mul3A : vector<10000x7xf32>
    %swap3A = arith.constant 0 : index
    %swap3A_24 = arith.constant 0 : index
    %swap3A_25 = vector.load %arg4[%swap3A, %swap3A_24] : memref<10000x7xf32, #tpu.memory_space<vmem>>, vector<10000x7xf32>
    tpu.vector_store %arg4[%swap3A, %swap3A_24], %add3A_23 {strides = array<i32>} : memref<10000x7xf32, #tpu.memory_space<vmem>>, vector<10000x7xf32>,
    return
  }
}

</mosaic_0001>

<sc_bundles>
// kernel: kernel.10.cloned.1.call-start
scs
__scs_entry_jumppad:
0x0: {  	(pc) =	sbr.rel $0x88, $3  }
0x1: {  	(tag) =	ssettag $0x0;
	lr =	simm.s32 $0x1  }
0x2: {  	[smem:$0x3F99] =	sst lr;
	_ =	strace $0xD0000000  }
0x3: {  	_ = 	snop  }
0x4: {  	_ = 	snop  }
0x5: {  	_ = 	snop  }
0x6: {  	_ = 	snop  }
0x7: {  	_ = 	snop  }
__scs_overlays_trampoline_lowered:
0x8: {  	[smem:$0x3FA8] =	sst s0  }
0x9: {  	[smem:$0x3FA9] =	sst s1  }
0xa: {  	[smem:$0x3FAA] =	sst s2  }
0xb: {  	[smem:$0x3FAB] =	sst s3  }
0xc: {  	[smem:$0x3FAC] =	sst s4  }
0xd: {  	[smem:$0x3FAD] =	sst s5  }
0xe: {  	[smem:$0x3FAE] =	sst s6  }
0xf: {  	[smem:$0x3FAF] =	sst s7  }
0x10: {  	[smem:$0x3FB0] =	sst s8  }
0x11: {  	[smem:$0x3FB1] =	sst s9;
	s0 =	simm.s32 @!p0 $0x0  }
0x12: {  	s1 =	sld [smem:$0x3F97];
	s0 =	simm.s32 @p0 $0x1  }
0x13: {  	[smem:$0x3FB2] =	sst s0;
	s0 =	simm.s32 @!p1 $0x0  }
0x14: {  	s2 =	sld [smem:$0x3F96];
	s0 =	simm.s32 @p1 $0x1  }
0x15: {  	[smem:$0x3FB3] =	sst s0;
	s0 =	simm.s32 @!p2 $0x0  }
0x16: {  	s3 =	sld [smem:$0x3FDB];
	s0 =	simm.s32 @p2 $0x1  }
0x17: {  	s4 =	simm.s32 $0x1BF5;
	[smem:$0x3FB5] =	sst s0  }
0x18: {  	s0 =	sld [smem:$0x3F98];
	_ =	swait.ge [sflag:s4], $0x0  }
0x19: {  	s7 =	sld [smem:$0x3F99]  }
0x1a: {  	s8 =	sadd.s32 $0xFFFFE003, lr  }
0x1b: {  	s9 =	sadd.s32 $0xFFFFFEF7, lr;
	s5 =	simm.s32 $0xFFFFFFFF;
	p2 =	slt.u32 s8, $0xFFFFF086  }
0x1c: {  	p1 =	slt.u32 s9, $0xF7A;
	s5 =	simm.s32 @!p2 $0x0  }
0x1d: {  	s5 =	simm.s32 @p1 $0x1;
	p0 =	seq.s32 s7, s2  }
0x1e: {  	s7 =	smul.u32 @!p0 $0xF7A, s2;
	p2 =	seq.s32 @!p0 s5, $0x0  }
0x1f: {  	s9 =	smul.u32 $0xF7A, s1;
	s8 =	simm.s32 @!p0 $0x1BF5;
	p2 =	por !p2, p0  }
0x20: {  	[sflag:s8] =	ssyncset.s32 @!p0 $0xFFFFF086;
	s6 =	sadd.s32 @!p0 s3, s7;
	s7 =	simm.s32 @!p0 $0x108  }
0x21: {  	s3 =	sadd.s32 s3, s9;
	s6 =	sadd.s32 @!p0 $0x88, s6;
	s7 =	simm.s32 @p2 $0x1082  }
0x22: {  	[simem:s7], [sflag:s8] =	dma.local @!p0 [hbm:s6], $0xF7A  }
0x23: {  	s9 =	sor.u32 $0xD0000000, s2;
	s6 =	simm.s32 $0x108;
	_ =	swait.ge @!p0 [sflag:s8], $0x0  }
0x24: {  	s3 =	sadd.s32 $0x88, s3;
	s6 =	simm.s32 @!p1 $0x1082;
	[sflag:s4] =	ssyncset.s32 $0xFFFFF086  }
0x25: {  	[simem:s6], [sflag:s4] =	dma.local [hbm:s3], $0xF7A  }
0x26: {  	[smem:$0x3F99] =	sst s1;
	(tag) =	ssettag s2;
	_ =	strace s9  }
0x27: {  	s1 =	sld [smem:$0x3FA9]  }
0x28: {  	s2 =	sld [smem:$0x3FAA]  }
0x29: {  	s4 =	sld [smem:$0x3FAC]  }
0x2a: {  	p0 =	seq.s32 s5, $0x0;
	s5 =	sld [smem:$0x3FAD]  }
0x2b: {  	s6 =	sld [smem:$0x3FAE]  }
0x2c: {  	s7 =	sld [smem:$0x3FAF]  }
0x2d: {  	s3 =	simm.s32 $0x108;
	s8 =	sld [smem:$0x3FB0]  }
0x2e: {  	s3 =	simm.s32 @!p0 $0x1082;
	s9 =	sld [smem:$0x3FB1]  }
0x2f: {  	lr =	sadd.s32 s0, s3;
	s0 =	sld [smem:$0x3FA8]  }
0x30: {  	s3 =	sld [smem:$0x3FAB]  }
0x31: {  	[smem:$0x3FB4] =	sst s10  }
0x32: {  	s10 =	sld [smem:$0x3FB2];
	_ =	sdelay $0x3  }
0x33: {  	p0 =	seq.s32 s10, $0x1;
	s10 =	sld [smem:$0x3FB4];
	_ =	sdelay $0x3  }
0x34: {  	[smem:$0x3FB4] =	sst s10  }
0x35: {  	s10 =	sld [smem:$0x3FB3];
	_ =	sdelay $0x3  }
0x36: {  	p1 =	seq.s32 s10, $0x1;
	s10 =	sld [smem:$0x3FB4];
	_ =	sdelay $0x3  }
0x37: {  	[smem:$0x3FB4] =	sst s10  }
0x38: {  	s10 =	sld [smem:$0x3FB5]  }
0x39: {  	_ = 	snop;
	(pc) =	sbr.ind lr, $3  }
0x3a: {  	_ = 	snop  }
0x3b: {  	_ = 	snop  }
0x3c: {  	p2 =	seq.s32 s10, $0x1;
	s10 =	sld [smem:$0x3FB4]  }
0x3d: {  	_ =	shalt  }
0x3e: {  	_ =	shalt  }
0x3f: {  	_ =	shalt  }
0x40: {  	_ =	shalt  }
0x41: {  	_ =	shalt  }
0x42: {  	_ =	shalt  }
0x43: {  	_ =	shalt  }
0x44: {  	_ =	shalt  }
0x45: {  	_ =	shalt  }
0x46: {  	_ =	shalt  }
0x47: {  	_ =	shalt  }
0x48: {  	_ =	shalt  }
0x49: {  	_ =	shalt  }
0x4a: {  	_ =	shalt  }
0x4b: {  	_ =	shalt  }
0x4c: {  	_ =	shalt  }
0x4d: {  	_ =	shalt  }
0x4e: {  	_ =	shalt  }
0x4f: {  	_ =	shalt  }
0x50: {  	_ =	shalt  }
0x51: {  	_ =	shalt  }
0x52: {  	_ =	shalt  }
0x53: {  	_ =	shalt  }
0x54: {  	_ =	shalt  }
0x55: {  	_ =	shalt  }
0x56: {  	_ =	shalt  }
0x57: {  	_ =	shalt  }
0x58: {  	_ =	shalt  }
0x59: {  	_ =	shalt  }
0x5a: {  	_ =	shalt  }
0x5b: {  	_ =	shalt  }
0x5c: {  	_ =	shalt  }
0x5d: {  	_ =	shalt  }
0x5e: {  	_ =	shalt  }
0x5f: {  	_ =	shalt  }
0x60: {  	_ =	shalt  }
0x61: {  	_ =	shalt  }
0x62: {  	_ =	shalt  }
0x63: {  	_ =	shalt  }
0x64: {  	_ =	shalt  }
0x65: {  	_ =	shalt  }
0x66: {  	_ =	shalt  }
0x67: {  	_ =	shalt  }
0x68: {  	_ =	shalt  }
0x69: {  	_ =	shalt  }
0x6a: {  	_ =	shalt  }
0x6b: {  	_ =	shalt  }
0x6c: {  	_ =	shalt  }
0x6d: {  	_ =	shalt  }
0x6e: {  	_ =	shalt  }
0x6f: {  	_ =	shalt  }
0x70: {  	_ =	shalt  }
0x71: {  	_ =	shalt  }
0x72: {  	_ =	shalt  }
0x73: {  	_ =	shalt  }
0x74: {  	_ =	shalt  }
0x75: {  	_ =	shalt  }
0x76: {  	_ =	shalt  }
0x77: {  	_ =	shalt  }
0x78: {  	_ =	shalt  }
0x79: {  	_ =	shalt  }
0x7a: {  	_ =	shalt  }
0x7b: {  	_ =	shalt  }
0x7c: {  	_ =	shalt  }
0x7d: {  	_ =	shalt  }
0x7e: {  	_ =	shalt  }
0x7f: {  	_ =	shalt  }
0x80: {  	_ =	shalt  }
0x81: {  	_ =	shalt  }
0x82: {  	_ =	shalt  }
0x83: {  	_ =	shalt  }
0x84: {  	_ =	shalt  }
0x85: {  	_ =	shalt  }
0x86: {  	_ =	shalt  }
0x87: {  	_ =	shalt  }
.Lfunc_end0:
.L_simem_size_0:
called_computation.1_lowered:
.L_overlay_start_0:
0x88: {  	s2 =	sld [smem:$0x3FD9]  }
0x89: {  	s3 =	sld [smem:$0x3FFE];
	_ =	sdelay $0x1  }
0x8a: {  	s1 =	srdreg.scid  }
0x8b: {  	s0 =	sand.u32 $0x1, s1  }
0x8c: {  	s16 =	sshll.u32 s0, $0xA;
	s2 =	sadd.s32 s3, s2  }
0x8d: {  	s2 =	sadd.s32 s2, s16  }
0x8e: {  	[smem:$0x3FC0] =	sst s2  }
0x8f: {  	_ = 	snop  }
0x90: {  	(tm) =	ssettm $0x1  }
0x91: {  	s17 =	sld [smem:$0x3FFB];
	_ =	sdelay $0x3  }
0x92: {  	_ =	strace s17  }
0x93: {  	s2 =	sld [smem:$0x3FFC];
	_ =	sdelay $0x3  }
0x94: {  	_ =	strace s2  }
0x95: {  	s2 =	sld [smem:$0x3FFD];
	_ =	sdelay $0x3  }
0x96: {  	_ =	strace s2  }
0x97: {  	_ =	strace $0x8FFFFFFF  }
0x98: {  	s18 =	sld [smem:$0x3FDB];
	_ =	sdelay $0x1  }
0x99: {  	s19 =	simm.s32 $_scs_section_size  }
0x9a: {  	s4 =	simm.s32 $_size__tile_overlayer_lowered;
	s5 =	simm.s32 $_tile_overlayer_lowered  }
0x9b: {  	s22 =	simm.s32 $0x1BFF;
	s21 =	sshll.u32 s5, $0x1;
	s2 =	sadd.s32 s19, s18  }
0x9c: {  	s6 =	simm.s32 $0x0;
	s20 =	sshll.u32 s4, $0x1;
	s4 =	sadd.s32 s21, s2  }
0x9d: {  	[timem:s6], [sflag:s22] =	dma.local [hbm:s4], s20  }
0x9e: {  	_ =	swait.ge [sflag:s22], s20  }
0x9f: {  	s3 =	ssub.s32 $0x0, s20;
	[sflag:s22] =	ssyncset.done $0x0  }
0xa0: {  	[sflag:s22] =	ssyncadd.s32 s3;
	_ =	sdelay $0x1  }
0xa1: {  	s23 =	simm.s32 $0x1B8B  }
0xa2: {  	_ =	swait.ge [sflag:s23], $0x1  }
0xa3: {  	[sflag:s23] =	ssyncset.done $0x0  }
0xa4: {  	s25 =	simm.s32 $0x1B8E;
	s24 =	sld [smem:$0x3FFE];
	[sflag:s23] =	ssyncadd.s32 $0xFFFFFFFF  }
0xa5: {  	s26 =	simm.s32 $execute0_lowered;
	[smem:$0x3FD2] =	sst s25  }
0xa6: {  	s4 =	sshll.u32 s26, $0x1;
	_ =	strace $0x80000049;
	[dreg:$0x1] =	wrdreg $0xFFFFFFFF  }
0xa7: {  	s28 =	simm.s32 $_size_execute0_lowered;
	s2 =	sadd.s32 s2, s4;
	[dreg:$0x0] =	wrdreg $0x0  }
0xa8: {  	s4 =	sshll.u32 s28, $0x1;
	[dreg:$0x2] =	wrdreg s2  }
0xa9: {  	[dreg:$0x3] =	wrdreg s4  }
0xaa: {  	[dreg:$0x4] =	wrdreg $0xC0  }
0xab: {  	_ =	task [dreg:s6], $0x5FFFF  }
0xac: {  	[dreg:$0x1] =	wrdreg $0xFFFFFFFF  }
0xad: {  	[dreg:$0x0] =	wrdreg $0x60  }
0xae: {  	[dreg:$0x2] =	wrdreg s24  }
0xaf: {  	[dreg:$0x3] =	wrdreg $0x88800  }
0xb0: {  	[dreg:$0x4] =	wrdreg $0x61000  }
0xb1: {  	[dreg:$0x5] =	wrdreg $0x9  }
0xb2: {  	_ =	task.clear_ibuf [dreg:s6], $0x6FFFF;
	_ =	strace $0x90000049  }
0xb3: {  	s29 =	simm.s32 $0x9;
	_ =	strace $0x8000004B  }
0xb4: {  	_ =	swait.ge [sflag:s29], $0x1  }
0xb5: {  	[sflag:s29] =	ssyncadd.s32 $0xFFFFFFFF  }
0xb6: {  	_ =	strace $0x9000004B  }
0xb7: {  	_ =	sfence  }
0xb8: {  	s30 =	sld [smem:$0x0];
	_ =	sdelay $0x2  }
0xb9: {  	s31 =	sshll.u32 s1, $0xD;
	s1 =	sshrl.u32 s1, $0x2  }
0xba: {  	s3 =	sand.u32 $0x4000, s31;
	s1 =	sadd.s32 s1, s30  }
0xbb: {  	s0 =	sor.u32 s3, s0;
	s1 =	sshll.u32 s1, $0x11  }
0xbc: {  	s0 =	sor.u32 s1, s0  }
0xbd: {  	s0 =	sadd.s32 $0x8F2B, s0  }
0xbe: {  	[sflag:s0] =	ssyncadd.remote.s32 $0x1  }
0xbf: {  	_ =	sfence.sel $0xFFFF  }
0xc0: {  	[dreg:$0x0] =	wrdreg $0xFFFFFFFF;
	(pc) =	sbr.abs _section_cstart, $3  }
0xc1: {  	[dreg:$0x1] =	wrdreg $0xFFFFFFFF  }
0xc2: {  	_ =	task.clear_ibuf [dreg:s6], $0x2FFFF;
	_ =	strace $0x9FFFFFFF  }
0xc3: {  	(tm) =	ssettm $0x7FFFFFFF  }
tec
execute0_lowered:
.L_overlay_start_1:
0x0: {  	(tag) =	ssettag $0x1  }
0x1: {  	s10 =	rddreg [dreg:$0x0]  }
0x2: {  	s2 =	rddreg [dreg:$0x1]  }
0x3: {  	s3 =	rddreg [dreg:$0x2];
	s4 =	srdreg.scid  }
0x4: {  	s0 =	rddreg [dreg:$0x3];
	s1 =	stileid.u32;
	s15 =	simm.s32 $0x2900  }
0x5: {  	s16 =	simm.s32 $0x2800;
	s19 =	simm.s32 $0x80;
	s20 =	simm.s32 $0x5100  }
0x6: {  	s21 =	simm.s32 $0x5900;
	s22 =	simm.s32 $0x1;
	s23 =	simm.s32 $0x2  }
0x7: {  	s24 =	simm.s32 $0x0;
	s5 =	sand.u32 $0x1, s4;
	s4 =	simm.s32 $0x0  }
0x8: {  	s9 =	smul.u32 $0x2780, s1;
	s31 =	sshll.u32 s1, $0x6;
	s17 =	sadd.s32 $0x25080, s3  }
0x9: {  	p0 =	seq.s32 s1, $0xF;
	s6 =	sshll.u32 s5, $0x4;
	[smem:$0x7FF] =	sst s4  }
0xa: {  	s7 =	smul.u32 $0x27800, s5;
	s5 =	ssub.s32 $0x2, s5;
	s17 =	sshrl.u32 @p0 s17, $0x3  }
0xb: {  	s6 =	sor.u32 s1, s6;
	_ =	strace $0x8000004A;
	s8 =	sshrl.u32 s9, $0x3  }
0xc: {  	s30 =	sshrl.u32 s5, $0x1;
	s14 =	sadd.s32 s9, s2;
	s18 =	sadd.s32 s9, s3  }
0xd: {  	s6 =	smul.u32 $0x500, s6;
	s11 =	sadd.s32 s8, s10;
	s7 =	sadd.s32 s9, s7  }
0xe: {  	s13 =	ssub.s32 s5, s30;
	s18 =	sshrl.u32 @!p0 s18, $0x3;
	s29 =	sshrl.u32 s7, $0x3  }
0xf: {  	s5 =	sadd.s32 $0x1A000, s11;
	s9 =	sadd.s32 $0x1000, s11;
	s28 =	sadd.s32 s6, s10  }
0x10: {  	s12 =	sadd.s32 s29, s10;
	s6 =	sor.u32 $0x1C03, s31;
	s10 =	sadd.s32 $0x5A10, s10  }
0x11: {  	s7 =	sadd.s32 $0x10000, s28;
	s8 =	sadd.s32 $0x6000, s28;
	s11 =	sadd.s32 $0x1F000, s12  }
0x12: {  	s12 =	smax.u32 s13, $0x1;
	s13 =	sshrl.u32 s14, $0x3;
	s14 =	simm.s32 $0x3  }
.LBB2_1:
0x13: {  	[spmem:s13], [sflag:s6] =	dma.local [hbm:s5], $0x4F0  }
0x14: {  	_ =	swait.ge [sflag:s14], $0x4F0  }
0x15: {  	[sflag:s14] =	ssyncset.done $0x0  }
0x16: {  	[sflag:s14] =	ssyncadd.s32 $0xFFFFFB10  }
0x17: {  	[tilespmem:s4], [sflag:$0x3] =	stream.linear.gather [hbm4b:s7+s4], $0x2800, $0x38;
	[tilespmem:$0xB000] =	vst v63  }
0x18: {  	_ =	swait.ge [sflag:s14], $0x2800  }
0x19: {  	[sflag:s14] =	ssyncset.done $0x0  }
0x1a: {  	[sflag:s14] =	ssyncadd.s32 $0xFFFFD800  }
0x1b: {  	[tilespmem:s15], [sflag:$0x3] =	stream.linear.gather [hbm4b:s8+s4], $0x2800, $0x38;
	[tilespmem:$0xB000] =	vst v63  }
0x1c: {  	_ =	swait.ge [sflag:s14], $0x2800  }
0x1d: {  	[sflag:s14] =	ssyncset.done $0x0  }
0x1e: {  	[sflag:s14] =	ssyncadd.s32 $0xFFFFD800  }
0x1f: {  	[tilespmem:s16], [sflag:$0x3] =	stream.linear.gather [hbm4b:s7+s4], $0x100, $0x38;
	[tilespmem:$0xB000] =	vst v63  }
0x20: {  	_ =	swait.ge [sflag:s14], $0x100  }
0x21: {  	[sflag:s14] =	ssyncset.done $0x0  }
0x22: {  	s25 =	simm.s32 @p0 $0x3;
	[sflag:s14] =	ssyncadd.s32 $0xFFFFFF00  }
0x23: {  	[spmem:s17], [sflag:s6] =	dma.local @p0 [hbm:s10], $0x410  }
0x24: {  	_ =	swait.ge @p0 [sflag:s25], $0x410  }
0x25: {  	[sflag:s25] =	ssyncset.done @p0 $0x0  }
0x26: {  	[sflag:s25] =	ssyncadd.s32 @p0 $0xFFFFFBF0;
	s25 =	simm.s32 @!p0 $0x3  }
0x27: {  	[spmem:s18], [sflag:s6] =	dma.local @!p0 [hbm:s9], $0x4F0  }
0x28: {  	_ =	swait.ge @!p0 [sflag:s25], $0x4F0  }
0x29: {  	[sflag:s25] =	ssyncset.done @!p0 $0x0  }
0x2a: {  	[sflag:s25] =	ssyncadd.s32 @!p0 $0xFFFFFB10  }
0x2b: {  	[bflag:$0x0] =	sbarrier.arrive $0xFFFF  }
0x2c: {  	[tilespmem:s20], [sflag:$0x1] =	stream.indirect.gather [spmem:s3], $0x10, s4, s19, $0xb8;
	[tilespmem:$0xB000] =	vst v63  }
0x2d: {  	_ = 	snop  }
0x2e: {  	[tilespmem:s21], [sflag:$0x2] =	stream.indirect.gather [spmem:s3], $0x10, s19, s19, $0xb8;
	[tilespmem:$0xB000] =	vst v63  }
0x2f: {  	_ =	swait.ge [sflag:s22], $0x800  }
0x30: {  	[sflag:s22] =	ssyncset.done $0x0  }
0x31: {  	s29 =	simm.s32 $0x2900;
	[sflag:s22] =	ssyncadd.s32 $0xFFFFF800  }
0x32: {  	[spmem:s2] =	stream.indirect.scatter.add.f32 [tilespmem:s20], [sflag:$0x3], $0x10, s29, s19, $0xb8;
	[tilespmem:$0xB000] =	vst v63  }
0x33: {  	_ =	swait.ge [sflag:s14], $0x800  }
0x34: {  	[sflag:s14] =	ssyncset.done $0x0  }
0x35: {  	s30 =	simm.s32 $0x100;
	[sflag:s14] =	ssyncadd.s32 $0xFFFFF800  }
0x36: {  	[tilespmem:s20], [sflag:$0x1] =	stream.indirect.gather [spmem:s3], $0x10, s30, s19, $0xb8;
	[tilespmem:$0xB000] =	vst v63  }
0x37: {  	_ =	swait.ge [sflag:s23], $0x800  }
0x38: {  	[sflag:s23] =	ssyncset.done $0x0  }
0x39: {  	s31 =	simm.s32 $0x2980;
	[sflag:s23] =	ssyncadd.s32 $0xFFFFF800  }
0x3a: {  	[spmem:s2] =	stream.indirect.scatter.add.f32 [tilespmem:s21], [sflag:$0x3], $0x10, s31, s19, $0xb8;
	[tilespmem:$0xB000] =	vst v63  }
0x3b: {  	_ =	swait.ge [sflag:s14], $0x800  }
0x3c: {  	[sflag:s14] =	ssyncset.done $0x0  }
0x3d: {  	s26 =	simm.s32 $0x180;
	s25 =	simm.s32 $0x400;
	[sflag:s14] =	ssyncadd.s32 $0xFFFFF800  }
.LBB2_2:
0x3e: {  	[tilespmem:s21], [sflag:$0x2] =	stream.indirect.gather [spmem:s3], $0x10, s26, s19, $0xb8;
	[tilespmem:$0xB000] =	vst v63  }
0x3f: {  	s26 =	smov.u32 s25  }
0x40: {  	p1 =	sne.s32 s25, $0x9C00;
	s25 =	sadd.s32 $0x400, s25;
	_ =	swait.ge [sflag:s22], $0x800  }
0x41: {  	s26 =	sshra.s32 s26, $0x2;
	[sflag:s22] =	ssyncset.done $0x0  }
0x42: {  	s28 =	sadd.s32 $0x2900, s26;
	[sflag:s22] =	ssyncadd.s32 $0xFFFFF800  }
0x43: {  	[spmem:s2] =	stream.indirect.scatter.add.f32 [tilespmem:s20], [sflag:$0x3], $0x10, s28, s19, $0xb8;
	[tilespmem:$0xB000] =	vst v63  }
0x44: {  	_ =	swait.ge [sflag:s14], $0x800  }
0x45: {  	[sflag:s14] =	ssyncset.done $0x0  }
0x46: {  	s28 =	sadd.s32 $0x100, s26;
	[sflag:s14] =	ssyncadd.s32 $0xFFFFF800  }
0x47: {  	[tilespmem:s20], [sflag:$0x1] =	stream.indirect.gather [spmem:s3], $0x10, s28, s19, $0xb8;
	[tilespmem:$0xB000] =	vst v63  }
0x48: {  	_ =	swait.ge [sflag:s23], $0x800  }
0x49: {  	[sflag:s23] =	ssyncset.done $0x0  }
.Ltmp0:
0x4a: {  	s28 =	sadd.s32 $0x2980, s26;
	[sflag:s23] =	ssyncadd.s32 $0xFFFFF800;
	(pc) =	sbr.rel @p1 .LBB2_2-.Ltmp0, $4  }
0x4b: {  	[spmem:s2] =	stream.indirect.scatter.add.f32 [tilespmem:s21], [sflag:$0x3], $0x10, s28, s19, $0xb8;
	[tilespmem:$0xB000] =	vst v63  }
0x4c: {  	_ =	swait.ge [sflag:s14], $0x800  }
0x4d: {  	[sflag:s14] =	ssyncset.done $0x0  }
0x4e: {  	s26 =	sadd.s32 $0x180, s26;
	[sflag:s14] =	ssyncadd.s32 $0xFFFFF800  }
0x4f: {  	[tilespmem:s21], [sflag:$0x2] =	stream.indirect.gather [spmem:s3], $0x10, s26, s19, $0xb8;
	[tilespmem:$0xB000] =	vst v63  }
0x50: {  	_ =	swait.ge [sflag:s22], $0x800  }
0x51: {  	[sflag:s22] =	ssyncset.done $0x0  }
0x52: {  	[sflag:s22] =	ssyncadd.s32 $0xFFFFF800  }
0x53: {  	_ =	swait.ge [sflag:s23], $0x800  }
0x54: {  	s24 =	sadd.s32 $0x1, s24;
	[sflag:s23] =	ssyncset.done $0x0  }
0x55: {  	p1 =	sne.s32 s24, s12;
	[sflag:s23] =	ssyncadd.s32 $0xFFFFF800  }
.Ltmp1:
0x56: {  	[bflag:$0x0] =	sbarrier.arrive $0xFFFF;
	(pc) =	sbr.rel @p1 .LBB2_1-.Ltmp1, $4  }
0x57: {  	[hbm:s11], [sflag:s6] =	dma.local [spmem:s13], $0x4F0  }
0x58: {  	_ =	swait.ge [sflag:s14], $0x4F0  }
0x59: {  	[sflag:s14] =	ssyncset.done $0x0  }
0x5a: {  	[sflag:s14] =	ssyncadd.s32 $0xFFFFFB10  }
0x5b: {  	_ =	sfence.sel $0x180000  }
0x5c: {  	[bflag:$0x0] =	sbarrier.arrive $0xFFFF  }
0x5d: {  	p0 =	sne.s32 s1, $0x0;
	_ =	strace $0x9000004A  }
0x5e: {  	s0 =	sadd.s32 @!p0 $0x100000, s0;
	[bflag:$0x2] =	sbarrier.arrive $0xFFFF  }
0x5f: {  	[sflag:s0] =	ssyncadd.tile.s32 @!p0 $0x1;
	_ =	shalt  }
.Lfunc_end2:
_tile_overlayer_lowered:
.L_overlay_start_2:
0x60: {  	(tag) =	ssettag $0x2  }
0x61: {  	s0 =	rddreg [dreg:$0x0];
	s2 =	stileid.u32  }
0x62: {  	s1 =	rddreg [dreg:$0x1];
	p0 =	sne.s32 s2, $0x0  }
0x63: {  	s3 =	rddreg [dreg:$0x2];
	[bflag:$0x3] =	sbarrier.arrive $0xFFFF;
	s2 =	simm.s32 @!p0 $0x1C03  }
0x64: {  	[timem:s3], [sflag:s2] =	dma.local @!p0 [hbm:s0], s1  }
0x65: {  	s0 =	simm.s32 @!p0 $0x3  }
0x66: {  	_ =	swait.ge @!p0 [sflag:s0], s1  }
0x67: {  	s1 =	ssub.s32 @!p0 $0x0, s1;
	[sflag:s0] =	ssyncset.done @!p0 $0x0  }
0x68: {  	[sflag:s0] =	ssyncadd.s32 @!p0 s1  }
0x69: {  	[bflag:$0x3] =	sbarrier.arrive $0xFFFF  }
0x6a: {  	_ =	shalt  }

// kernel: kernel.7.cloned.1.call-start
scs
__scs_entry_jumppad:
0x0: {  	(pc) =	sbr.rel $0x88, $3  }
0x1: {  	(tag) =	ssettag $0x0;
	lr =	simm.s32 $0x1  }
0x2: {  	[smem:$0x3F99] =	sst lr;
	_ =	strace $0xD0000000  }
0x3: {  	_ = 	snop  }
0x4: {  	_ = 	snop  }
0x5: {  	_ = 	snop  }
0x6: {  	_ = 	snop  }
0x7: {  	_ = 	snop  }
__scs_overlays_trampoline_lowered:
0x8: {  	[smem:$0x3FA8] =	sst s0  }
0x9: {  	[smem:$0x3FA9] =	sst s1  }
0xa: {  	[smem:$0x3FAA] =	sst s2  }
0xb: {  	[smem:$0x3FAB] =	sst s3  }
0xc: {  	[smem:$0x3FAC] =	sst s4  }
0xd: {  	[smem:$0x3FAD] =	sst s5  }
0xe: {  	[smem:$0x3FAE] =	sst s6  }
0xf: {  	[smem:$0x3FAF] =	sst s7  }
0x10: {  	[smem:$0x3FB0] =	sst s8  }
0x11: {  	[smem:$0x3FB1] =	sst s9;
	s0 =	simm.s32 @!p0 $0x0  }
0x12: {  	s1 =	sld [smem:$0x3F97];
	s0 =	simm.s32 @p0 $0x1  }
0x13: {  	[smem:$0x3FB2] =	sst s0;
	s0 =	simm.s32 @!p1 $0x0  }
0x14: {  	s2 =	sld [smem:$0x3F96];
	s0 =	simm.s32 @p1 $0x1  }
0x15: {  	[smem:$0x3FB3] =	sst s0;
	s0 =	simm.s32 @!p2 $0x0  }
0x16: {  	s3 =	sld [smem:$0x3FDB];
	s0 =	simm.s32 @p2 $0x1  }
0x17: {  	s4 =	simm.s32 $0x1BF5;
	[smem:$0x3FB5] =	sst s0  }
0x18: {  	s0 =	sld [smem:$0x3F98];
	_ =	swait.ge [sflag:s4], $0x0  }
0x19: {  	s7 =	sld [smem:$0x3F99]  }
0x1a: {  	s8 =	sadd.s32 $0xFFFFE003, lr  }
0x1b: {  	s9 =	sadd.s32 $0xFFFFFEF7, lr;
	s5 =	simm.s32 $0xFFFFFFFF;
	p2 =	slt.u32 s8, $0xFFFFF086  }
0x1c: {  	p1 =	slt.u32 s9, $0xF7A;
	s5 =	simm.s32 @!p2 $0x0  }
0x1d: {  	s5 =	simm.s32 @p1 $0x1;
	p0 =	seq.s32 s7, s2  }
0x1e: {  	s7 =	smul.u32 @!p0 $0xF7A, s2;
	p2 =	seq.s32 @!p0 s5, $0x0  }
0x1f: {  	s9 =	smul.u32 $0xF7A, s1;
	s8 =	simm.s32 @!p0 $0x1BF5;
	p2 =	por !p2, p0  }
0x20: {  	[sflag:s8] =	ssyncset.s32 @!p0 $0xFFFFF086;
	s6 =	sadd.s32 @!p0 s3, s7;
	s7 =	simm.s32 @!p0 $0x108  }
0x21: {  	s3 =	sadd.s32 s3, s9;
	s6 =	sadd.s32 @!p0 $0x88, s6;
	s7 =	simm.s32 @p2 $0x1082  }
0x22: {  	[simem:s7], [sflag:s8] =	dma.local @!p0 [hbm:s6], $0xF7A  }
0x23: {  	s9 =	sor.u32 $0xD0000000, s2;
	s6 =	simm.s32 $0x108;
	_ =	swait.ge @!p0 [sflag:s8], $0x0  }
0x24: {  	s3 =	sadd.s32 $0x88, s3;
	s6 =	simm.s32 @!p1 $0x1082;
	[sflag:s4] =	ssyncset.s32 $0xFFFFF086  }
0x25: {  	[simem:s6], [sflag:s4] =	dma.local [hbm:s3], $0xF7A  }
0x26: {  	[smem:$0x3F99] =	sst s1;
	(tag) =	ssettag s2;
	_ =	strace s9  }
0x27: {  	s1 =	sld [smem:$0x3FA9]  }
0x28: {  	s2 =	sld [smem:$0x3FAA]  }
0x29: {  	s4 =	sld [smem:$0x3FAC]  }
0x2a: {  	p0 =	seq.s32 s5, $0x0;
	s5 =	sld [smem:$0x3FAD]  }
0x2b: {  	s6 =	sld [smem:$0x3FAE]  }
0x2c: {  	s7 =	sld [smem:$0x3FAF]  }
0x2d: {  	s3 =	simm.s32 $0x108;
	s8 =	sld [smem:$0x3FB0]  }
0x2e: {  	s3 =	simm.s32 @!p0 $0x1082;
	s9 =	sld [smem:$0x3FB1]  }
0x2f: {  	lr =	sadd.s32 s0, s3;
	s0 =	sld [smem:$0x3FA8]  }
0x30: {  	s3 =	sld [smem:$0x3FAB]  }
0x31: {  	[smem:$0x3FB4] =	sst s10  }
0x32: {  	s10 =	sld [smem:$0x3FB2];
	_ =	sdelay $0x3  }
0x33: {  	p0 =	seq.s32 s10, $0x1;
	s10 =	sld [smem:$0x3FB4];
	_ =	sdelay $0x3  }
0x34: {  	[smem:$0x3FB4] =	sst s10  }
0x35: {  	s10 =	sld [smem:$0x3FB3];
	_ =	sdelay $0x3  }
0x36: {  	p1 =	seq.s32 s10, $0x1;
	s10 =	sld [smem:$0x3FB4];
	_ =	sdelay $0x3  }
0x37: {  	[smem:$0x3FB4] =	sst s10  }
0x38: {  	s10 =	sld [smem:$0x3FB5]  }
0x39: {  	_ = 	snop;
	(pc) =	sbr.ind lr, $3  }
0x3a: {  	_ = 	snop  }
0x3b: {  	_ = 	snop  }
0x3c: {  	p2 =	seq.s32 s10, $0x1;
	s10 =	sld [smem:$0x3FB4]  }
0x3d: {  	_ =	shalt  }
0x3e: {  	_ =	shalt  }
0x3f: {  	_ =	shalt  }
0x40: {  	_ =	shalt  }
0x41: {  	_ =	shalt  }
0x42: {  	_ =	shalt  }
0x43: {  	_ =	shalt  }
0x44: {  	_ =	shalt  }
0x45: {  	_ =	shalt  }
0x46: {  	_ =	shalt  }
0x47: {  	_ =	shalt  }
0x48: {  	_ =	shalt  }
0x49: {  	_ =	shalt  }
0x4a: {  	_ =	shalt  }
0x4b: {  	_ =	shalt  }
0x4c: {  	_ =	shalt  }
0x4d: {  	_ =	shalt  }
0x4e: {  	_ =	shalt  }
0x4f: {  	_ =	shalt  }
0x50: {  	_ =	shalt  }
0x51: {  	_ =	shalt  }
0x52: {  	_ =	shalt  }
0x53: {  	_ =	shalt  }
0x54: {  	_ =	shalt  }
0x55: {  	_ =	shalt  }
0x56: {  	_ =	shalt  }
0x57: {  	_ =	shalt  }
0x58: {  	_ =	shalt  }
0x59: {  	_ =	shalt  }
0x5a: {  	_ =	shalt  }
0x5b: {  	_ =	shalt  }
0x5c: {  	_ =	shalt  }
0x5d: {  	_ =	shalt  }
0x5e: {  	_ =	shalt  }
0x5f: {  	_ =	shalt  }
0x60: {  	_ =	shalt  }
0x61: {  	_ =	shalt  }
0x62: {  	_ =	shalt  }
0x63: {  	_ =	shalt  }
0x64: {  	_ =	shalt  }
0x65: {  	_ =	shalt  }
0x66: {  	_ =	shalt  }
0x67: {  	_ =	shalt  }
0x68: {  	_ =	shalt  }
0x69: {  	_ =	shalt  }
0x6a: {  	_ =	shalt  }
0x6b: {  	_ =	shalt  }
0x6c: {  	_ =	shalt  }
0x6d: {  	_ =	shalt  }
0x6e: {  	_ =	shalt  }
0x6f: {  	_ =	shalt  }
0x70: {  	_ =	shalt  }
0x71: {  	_ =	shalt  }
0x72: {  	_ =	shalt  }
0x73: {  	_ =	shalt  }
0x74: {  	_ =	shalt  }
0x75: {  	_ =	shalt  }
0x76: {  	_ =	shalt  }
0x77: {  	_ =	shalt  }
0x78: {  	_ =	shalt  }
0x79: {  	_ =	shalt  }
0x7a: {  	_ =	shalt  }
0x7b: {  	_ =	shalt  }
0x7c: {  	_ =	shalt  }
0x7d: {  	_ =	shalt  }
0x7e: {  	_ =	shalt  }
0x7f: {  	_ =	shalt  }
0x80: {  	_ =	shalt  }
0x81: {  	_ =	shalt  }
0x82: {  	_ =	shalt  }
0x83: {  	_ =	shalt  }
0x84: {  	_ =	shalt  }
0x85: {  	_ =	shalt  }
0x86: {  	_ =	shalt  }
0x87: {  	_ =	shalt  }
.Lfunc_end0:
.L_simem_size_0:
called_computation_lowered:
.L_overlay_start_0:
0x88: {  	s2 =	sld [smem:$0x3FD9]  }
0x89: {  	s3 =	sld [smem:$0x3FFE];
	_ =	sdelay $0x1  }
0x8a: {  	s1 =	srdreg.scid  }
0x8b: {  	s0 =	sand.u32 $0x1, s1  }
0x8c: {  	s16 =	sshll.u32 s0, $0xA;
	s2 =	sadd.s32 s3, s2  }
0x8d: {  	s2 =	sadd.s32 s2, s16  }
0x8e: {  	[smem:$0x3FC0] =	sst s2  }
0x8f: {  	_ = 	snop  }
0x90: {  	(tm) =	ssettm $0x1  }
0x91: {  	s17 =	sld [smem:$0x3FFB];
	_ =	sdelay $0x3  }
0x92: {  	_ =	strace s17  }
0x93: {  	s2 =	sld [smem:$0x3FFC];
	_ =	sdelay $0x3  }
0x94: {  	_ =	strace s2  }
0x95: {  	s2 =	sld [smem:$0x3FFD];
	_ =	sdelay $0x3  }
0x96: {  	_ =	strace s2  }
0x97: {  	_ =	strace $0x8FFFFFFF  }
0x98: {  	s18 =	sld [smem:$0x3FDB];
	_ =	sdelay $0x1  }
0x99: {  	s19 =	simm.s32 $_scs_section_size  }
0x9a: {  	s4 =	simm.s32 $_size__tile_overlayer_lowered;
	s5 =	simm.s32 $_tile_overlayer_lowered  }
0x9b: {  	s22 =	simm.s32 $0x1BFF;
	s21 =	sshll.u32 s5, $0x1;
	s2 =	sadd.s32 s19, s18  }
0x9c: {  	s6 =	simm.s32 $0x0;
	s20 =	sshll.u32 s4, $0x1;
	s4 =	sadd.s32 s21, s2  }
0x9d: {  	[timem:s6], [sflag:s22] =	dma.local [hbm:s4], s20  }
0x9e: {  	_ =	swait.ge [sflag:s22], s20  }
0x9f: {  	s3 =	ssub.s32 $0x0, s20;
	[sflag:s22] =	ssyncset.done $0x0  }
0xa0: {  	[sflag:s22] =	ssyncadd.s32 s3;
	_ =	sdelay $0x1  }
0xa1: {  	s23 =	simm.s32 $0x1B8B  }
0xa2: {  	_ =	swait.ge [sflag:s23], $0x1  }
0xa3: {  	[sflag:s23] =	ssyncset.done $0x0  }
0xa4: {  	s25 =	simm.s32 $0x1B8E;
	s24 =	sld [smem:$0x3FFE];
	[sflag:s23] =	ssyncadd.s32 $0xFFFFFFFF  }
0xa5: {  	s26 =	simm.s32 $execute0_lowered;
	[smem:$0x3FD2] =	sst s25  }
0xa6: {  	s4 =	sshll.u32 s26, $0x1;
	_ =	strace $0x80000046;
	[dreg:$0x1] =	wrdreg $0xFFFFFFFF  }
0xa7: {  	s28 =	simm.s32 $_size_execute0_lowered;
	s2 =	sadd.s32 s2, s4;
	[dreg:$0x0] =	wrdreg $0x0  }
0xa8: {  	s4 =	sshll.u32 s28, $0x1;
	[dreg:$0x2] =	wrdreg s2  }
0xa9: {  	[dreg:$0x3] =	wrdreg s4  }
0xaa: {  	[dreg:$0x4] =	wrdreg $0xC0  }
0xab: {  	_ =	task [dreg:s6], $0x5FFFF  }
0xac: {  	[dreg:$0x1] =	wrdreg $0xFFFFFFFF  }
0xad: {  	[dreg:$0x0] =	wrdreg $0x60  }
0xae: {  	[dreg:$0x2] =	wrdreg s24  }
0xaf: {  	[dreg:$0x3] =	wrdreg $0x88800  }
0xb0: {  	[dreg:$0x4] =	wrdreg $0x61000  }
0xb1: {  	[dreg:$0x5] =	wrdreg $0x9  }
0xb2: {  	_ =	task.clear_ibuf [dreg:s6], $0x6FFFF;
	_ =	strace $0x90000046  }
0xb3: {  	s29 =	simm.s32 $0x9;
	_ =	strace $0x80000048  }
0xb4: {  	_ =	swait.ge [sflag:s29], $0x1  }
0xb5: {  	[sflag:s29] =	ssyncadd.s32 $0xFFFFFFFF  }
0xb6: {  	_ =	strace $0x90000048  }
0xb7: {  	_ =	sfence  }
0xb8: {  	s30 =	sld [smem:$0x0];
	_ =	sdelay $0x2  }
0xb9: {  	s31 =	sshll.u32 s1, $0xD;
	s1 =	sshrl.u32 s1, $0x2  }
0xba: {  	s3 =	sand.u32 $0x4000, s31;
	s1 =	sadd.s32 s1, s30  }
0xbb: {  	s0 =	sor.u32 s3, s0;
	s1 =	sshll.u32 s1, $0x11  }
0xbc: {  	s0 =	sor.u32 s1, s0  }
0xbd: {  	s0 =	sadd.s32 $0x8F2B, s0  }
0xbe: {  	[sflag:s0] =	ssyncadd.remote.s32 $0x1  }
0xbf: {  	_ =	sfence.sel $0xFFFF  }
0xc0: {  	[dreg:$0x0] =	wrdreg $0xFFFFFFFF;
	(pc) =	sbr.abs _section_cstart, $3  }
0xc1: {  	[dreg:$0x1] =	wrdreg $0xFFFFFFFF  }
0xc2: {  	_ =	task.clear_ibuf [dreg:s6], $0x2FFFF;
	_ =	strace $0x9FFFFFFF  }
0xc3: {  	(tm) =	ssettm $0x7FFFFFFF  }
tec
execute0_lowered:
.L_overlay_start_1:
0x0: {  	(tag) =	ssettag $0x1  }
0x1: {  	s10 =	rddreg [dreg:$0x0]  }
0x2: {  	s2 =	rddreg [dreg:$0x1]  }
0x3: {  	s3 =	rddreg [dreg:$0x2];
	s4 =	srdreg.scid  }
0x4: {  	s0 =	rddreg [dreg:$0x3];
	s1 =	stileid.u32;
	s15 =	simm.s32 $0x2900  }
0x5: {  	s16 =	simm.s32 $0x2800;
	s19 =	simm.s32 $0x80;
	s20 =	simm.s32 $0x5100  }
0x6: {  	s21 =	simm.s32 $0x5900;
	s22 =	simm.s32 $0x1;
	s23 =	simm.s32 $0x2  }
0x7: {  	s24 =	simm.s32 $0x0;
	s5 =	sand.u32 $0x1, s4;
	s4 =	simm.s32 $0x0  }
0x8: {  	s9 =	smul.u32 $0x2780, s1;
	s31 =	sshll.u32 s1, $0x6;
	s17 =	sadd.s32 $0x25080, s3  }
0x9: {  	p0 =	seq.s32 s1, $0xF;
	s6 =	sshll.u32 s5, $0x4;
	[smem:$0x7FF] =	sst s4  }
0xa: {  	s7 =	smul.u32 $0x27800, s5;
	s5 =	ssub.s32 $0x2, s5;
	s17 =	sshrl.u32 @p0 s17, $0x3  }
0xb: {  	s6 =	sor.u32 s1, s6;
	_ =	strace $0x80000047;
	s8 =	sshrl.u32 s9, $0x3  }
0xc: {  	s30 =	sshrl.u32 s5, $0x1;
	s14 =	sadd.s32 s9, s2;
	s18 =	sadd.s32 s9, s3  }
0xd: {  	s6 =	smul.u32 $0x500, s6;
	s11 =	sadd.s32 s8, s10;
	s7 =	sadd.s32 s9, s7  }
0xe: {  	s13 =	ssub.s32 s5, s30;
	s18 =	sshrl.u32 @!p0 s18, $0x3;
	s29 =	sshrl.u32 s7, $0x3  }
0xf: {  	s5 =	sadd.s32 $0x1A000, s11;
	s9 =	sadd.s32 $0x1000, s11;
	s28 =	sadd.s32 s6, s10  }
0x10: {  	s12 =	sadd.s32 s29, s10;
	s6 =	sor.u32 $0x1C03, s31;
	s10 =	sadd.s32 $0x5A10, s10  }
0x11: {  	s7 =	sadd.s32 $0x10000, s28;
	s8 =	sadd.s32 $0x6000, s28;
	s11 =	sadd.s32 $0x1F000, s12  }
0x12: {  	s12 =	smax.u32 s13, $0x1;
	s13 =	sshrl.u32 s14, $0x3;
	s14 =	simm.s32 $0x3  }
.LBB2_1:
0x13: {  	[spmem:s13], [sflag:s6] =	dma.local [hbm:s5], $0x4F0  }
0x14: {  	_ =	swait.ge [sflag:s14], $0x4F0  }
0x15: {  	[sflag:s14] =	ssyncset.done $0x0  }
0x16: {  	[sflag:s14] =	ssyncadd.s32 $0xFFFFFB10  }
0x17: {  	[tilespmem:s4], [sflag:$0x3] =	stream.linear.gather [hbm4b:s7+s4], $0x2800, $0x38;
	[tilespmem:$0xB000] =	vst v63  }
0x18: {  	_ =	swait.ge [sflag:s14], $0x2800  }
0x19: {  	[sflag:s14] =	ssyncset.done $0x0  }
0x1a: {  	[sflag:s14] =	ssyncadd.s32 $0xFFFFD800  }
0x1b: {  	[tilespmem:s15], [sflag:$0x3] =	stream.linear.gather [hbm4b:s8+s4], $0x2800, $0x38;
	[tilespmem:$0xB000] =	vst v63  }
0x1c: {  	_ =	swait.ge [sflag:s14], $0x2800  }
0x1d: {  	[sflag:s14] =	ssyncset.done $0x0  }
0x1e: {  	[sflag:s14] =	ssyncadd.s32 $0xFFFFD800  }
0x1f: {  	[tilespmem:s16], [sflag:$0x3] =	stream.linear.gather [hbm4b:s7+s4], $0x100, $0x38;
	[tilespmem:$0xB000] =	vst v63  }
0x20: {  	_ =	swait.ge [sflag:s14], $0x100  }
0x21: {  	[sflag:s14] =	ssyncset.done $0x0  }
0x22: {  	s25 =	simm.s32 @p0 $0x3;
	[sflag:s14] =	ssyncadd.s32 $0xFFFFFF00  }
0x23: {  	[spmem:s17], [sflag:s6] =	dma.local @p0 [hbm:s10], $0x410  }
0x24: {  	_ =	swait.ge @p0 [sflag:s25], $0x410  }
0x25: {  	[sflag:s25] =	ssyncset.done @p0 $0x0  }
0x26: {  	[sflag:s25] =	ssyncadd.s32 @p0 $0xFFFFFBF0;
	s25 =	simm.s32 @!p0 $0x3  }
0x27: {  	[spmem:s18], [sflag:s6] =	dma.local @!p0 [hbm:s9], $0x4F0  }
0x28: {  	_ =	swait.ge @!p0 [sflag:s25], $0x4F0  }
0x29: {  	[sflag:s25] =	ssyncset.done @!p0 $0x0  }
0x2a: {  	[sflag:s25] =	ssyncadd.s32 @!p0 $0xFFFFFB10  }
0x2b: {  	[bflag:$0x0] =	sbarrier.arrive $0xFFFF  }
0x2c: {  	[tilespmem:s20], [sflag:$0x1] =	stream.indirect.gather [spmem:s3], $0x10, s4, s19, $0xb8;
	[tilespmem:$0xB000] =	vst v63  }
0x2d: {  	_ = 	snop  }
0x2e: {  	[tilespmem:s21], [sflag:$0x2] =	stream.indirect.gather [spmem:s3], $0x10, s19, s19, $0xb8;
	[tilespmem:$0xB000] =	vst v63  }
0x2f: {  	_ =	swait.ge [sflag:s22], $0x800  }
0x30: {  	[sflag:s22] =	ssyncset.done $0x0  }
0x31: {  	s29 =	simm.s32 $0x2900;
	[sflag:s22] =	ssyncadd.s32 $0xFFFFF800  }
0x32: {  	[spmem:s2] =	stream.indirect.scatter.add.f32 [tilespmem:s20], [sflag:$0x3], $0x10, s29, s19, $0xb8;
	[tilespmem:$0xB000] =	vst v63  }
0x33: {  	_ =	swait.ge [sflag:s14], $0x800  }
0x34: {  	[sflag:s14] =	ssyncset.done $0x0  }
0x35: {  	s30 =	simm.s32 $0x100;
	[sflag:s14] =	ssyncadd.s32 $0xFFFFF800  }
0x36: {  	[tilespmem:s20], [sflag:$0x1] =	stream.indirect.gather [spmem:s3], $0x10, s30, s19, $0xb8;
	[tilespmem:$0xB000] =	vst v63  }
0x37: {  	_ =	swait.ge [sflag:s23], $0x800  }
0x38: {  	[sflag:s23] =	ssyncset.done $0x0  }
0x39: {  	s31 =	simm.s32 $0x2980;
	[sflag:s23] =	ssyncadd.s32 $0xFFFFF800  }
0x3a: {  	[spmem:s2] =	stream.indirect.scatter.add.f32 [tilespmem:s21], [sflag:$0x3], $0x10, s31, s19, $0xb8;
	[tilespmem:$0xB000] =	vst v63  }
0x3b: {  	_ =	swait.ge [sflag:s14], $0x800  }
0x3c: {  	[sflag:s14] =	ssyncset.done $0x0  }
0x3d: {  	s26 =	simm.s32 $0x180;
	s25 =	simm.s32 $0x400;
	[sflag:s14] =	ssyncadd.s32 $0xFFFFF800  }
.LBB2_2:
0x3e: {  	[tilespmem:s21], [sflag:$0x2] =	stream.indirect.gather [spmem:s3], $0x10, s26, s19, $0xb8;
	[tilespmem:$0xB000] =	vst v63  }
0x3f: {  	s26 =	smov.u32 s25  }
0x40: {  	p1 =	sne.s32 s25, $0x9C00;
	s25 =	sadd.s32 $0x400, s25;
	_ =	swait.ge [sflag:s22], $0x800  }
0x41: {  	s26 =	sshra.s32 s26, $0x2;
	[sflag:s22] =	ssyncset.done $0x0  }
0x42: {  	s28 =	sadd.s32 $0x2900, s26;
	[sflag:s22] =	ssyncadd.s32 $0xFFFFF800  }
0x43: {  	[spmem:s2] =	stream.indirect.scatter.add.f32 [tilespmem:s20], [sflag:$0x3], $0x10, s28, s19, $0xb8;
	[tilespmem:$0xB000] =	vst v63  }
0x44: {  	_ =	swait.ge [sflag:s14], $0x800  }
0x45: {  	[sflag:s14] =	ssyncset.done $0x0  }
0x46: {  	s28 =	sadd.s32 $0x100, s26;
	[sflag:s14] =	ssyncadd.s32 $0xFFFFF800  }
0x47: {  	[tilespmem:s20], [sflag:$0x1] =	stream.indirect.gather [spmem:s3], $0x10, s28, s19, $0xb8;
	[tilespmem:$0xB000] =	vst v63  }
0x48: {  	_ =	swait.ge [sflag:s23], $0x800  }
0x49: {  	[sflag:s23] =	ssyncset.done $0x0  }
.Ltmp0:
0x4a: {  	s28 =	sadd.s32 $0x2980, s26;
	[sflag:s23] =	ssyncadd.s32 $0xFFFFF800;
	(pc) =	sbr.rel @p1 .LBB2_2-.Ltmp0, $4  }
0x4b: {  	[spmem:s2] =	stream.indirect.scatter.add.f32 [tilespmem:s21], [sflag:$0x3], $0x10, s28, s19, $0xb8;
	[tilespmem:$0xB000] =	vst v63  }
0x4c: {  	_ =	swait.ge [sflag:s14], $0x800  }
0x4d: {  	[sflag:s14] =	ssyncset.done $0x0  }
0x4e: {  	s26 =	sadd.s32 $0x180, s26;
	[sflag:s14] =	ssyncadd.s32 $0xFFFFF800  }
0x4f: {  	[tilespmem:s21], [sflag:$0x2] =	stream.indirect.gather [spmem:s3], $0x10, s26, s19, $0xb8;
	[tilespmem:$0xB000] =	vst v63  }
0x50: {  	_ =	swait.ge [sflag:s22], $0x800  }
0x51: {  	[sflag:s22] =	ssyncset.done $0x0  }
0x52: {  	[sflag:s22] =	ssyncadd.s32 $0xFFFFF800  }
0x53: {  	_ =	swait.ge [sflag:s23], $0x800  }
0x54: {  	s24 =	sadd.s32 $0x1, s24;
	[sflag:s23] =	ssyncset.done $0x0  }
0x55: {  	p1 =	sne.s32 s24, s12;
	[sflag:s23] =	ssyncadd.s32 $0xFFFFF800  }
.Ltmp1:
0x56: {  	[bflag:$0x0] =	sbarrier.arrive $0xFFFF;
	(pc) =	sbr.rel @p1 .LBB2_1-.Ltmp1, $4  }
0x57: {  	[hbm:s11], [sflag:s6] =	dma.local [spmem:s13], $0x4F0  }
0x58: {  	_ =	swait.ge [sflag:s14], $0x4F0  }
0x59: {  	[sflag:s14] =	ssyncset.done $0x0  }
0x5a: {  	[sflag:s14] =	ssyncadd.s32 $0xFFFFFB10  }
0x5b: {  	_ =	sfence.sel $0x180000  }
0x5c: {  	[bflag:$0x0] =	sbarrier.arrive $0xFFFF  }
0x5d: {  	p0 =	sne.s32 s1, $0x0;
	_ =	strace $0x90000047  }
0x5e: {  	s0 =	sadd.s32 @!p0 $0x100000, s0;
	[bflag:$0x2] =	sbarrier.arrive $0xFFFF  }
0x5f: {  	[sflag:s0] =	ssyncadd.tile.s32 @!p0 $0x1;
	_ =	shalt  }
.Lfunc_end2:
_tile_overlayer_lowered:
.L_overlay_start_2:
0x60: {  	(tag) =	ssettag $0x2  }
0x61: {  	s0 =	rddreg [dreg:$0x0];
	s2 =	stileid.u32  }
0x62: {  	s1 =	rddreg [dreg:$0x1];
	p0 =	sne.s32 s2, $0x0  }
0x63: {  	s3 =	rddreg [dreg:$0x2];
	[bflag:$0x3] =	sbarrier.arrive $0xFFFF;
	s2 =	simm.s32 @!p0 $0x1C03  }
0x64: {  	[timem:s3], [sflag:s2] =	dma.local @!p0 [hbm:s0], s1  }
0x65: {  	s0 =	simm.s32 @!p0 $0x3  }
0x66: {  	_ =	swait.ge @!p0 [sflag:s0], s1  }
0x67: {  	s1 =	ssub.s32 @!p0 $0x0, s1;
	[sflag:s0] =	ssyncset.done @!p0 $0x0  }
0x68: {  	[sflag:s0] =	ssyncadd.s32 @!p0 s1  }
0x69: {  	[bflag:$0x3] =	sbarrier.arrive $0xFFFF  }
0x6a: {  	_ =	shalt  }

</sc_bundles>
